<compile_context>
chip_gen: v7x
topology: tpu7x:2x2x1
jax: 0.10.2.dev20260603
libtpu: 0.0.44.dev20260713+nightly
codegen_flags: <defaults>
</compile_context>

<pallas_src>
import functools
import math

import jax
import jax.numpy as jnp
from jax import lax
from jax.experimental import pallas as pl
from jax.experimental.pallas import tpu as pltpu
from jax.experimental.pallas import tpu_sc as plsc

_D = 128
_L = 2048
_B = 4
_NC = 2
_NS = 16
_NW = _NC * _NS
_PPW = _L // _NW
_LANES = 16
_SCALE = math.sqrt(float(_D))

_mesh = plsc.VectorSubcoreMesh(core_axis_name="c", subcore_axis_name="s")


@jax.jit
def _embed_sc(src, table, pe2):
    @functools.partial(
        pl.kernel,
        out_type=jax.ShapeDtypeStruct((_B, _L, _D), jnp.float32),
        mesh=_mesh,
        scratch_types=[
            pltpu.VMEM((_B // 2, 2 * _PPW), jnp.int32),
            [pltpu.VMEM((2 * _PPW, _D), jnp.float32) for _ in range(_B // 2)],
            pltpu.VMEM((_PPW, _D), jnp.float32),
            [pltpu.SemaphoreType.DMA for _ in range(_B // 2)],
            pltpu.SemaphoreType.DMA,
            pltpu.SemaphoreType.DMA,
            [pltpu.SemaphoreType.DMA for _ in range(_B // 2)],
        ],
    )
    def k(table_hbm, src_hbm, pe_hbm, out_hbm,
          idx_v, gbufs, pe_v, gsems, csem, osem, isems):
        wid = lax.axis_index("s") * _NC + lax.axis_index("c")
        p0 = wid * _PPW

        idx_copies = [
            pltpu.async_copy(
                src_hbm.at[b, pl.ds(p0, _PPW)],
                idx_v.at[b // 2, pl.ds((b % 2) * _PPW, _PPW)],
                isems[b // 2],
            )
            for b in range(_B)
        ]
        pe_copy = pltpu.async_copy(pe_hbm.at[pl.ds(p0, _PPW)], pe_v, csem)
        gathers = []
        for j in range(_B // 2):
            idx_copies[2 * j].wait()
            idx_copies[2 * j + 1].wait()
            gathers.append(
                pltpu.async_copy(table_hbm.at[idx_v.at[j]], gbufs[j], gsems[j])
            )
        pe_copy.wait()

        stores = []
        sub = _PPW // 2
        for j in range(_B // 2):
            gathers[j].wait()
            gb = gbufs[j]

            for q in range(2):
                @pl.loop(q * sub, (q + 1) * sub)
                def _(r, gb=gb):
                    @pl.loop(0, _D, step=_LANES)
                    def _(c, r=r, gb=gb):
                        p = pe_v[r, pl.ds(c, _LANES)]
                        sl0 = (r, pl.ds(c, _LANES))
                        sl1 = (r + _PPW, pl.ds(c, _LANES))
                        gb[sl0] = gb[sl0] * _SCALE + p
                        gb[sl1] = gb[sl1] * _SCALE + p

                for half in range(2):
                    stores.append(
                        pltpu.async_copy(
                            gb.at[pl.ds(half * _PPW + q * sub, sub)],
                            out_hbm.at[2 * j + half, pl.ds(p0 + q * sub, sub)],
                            osem,
                        )
                    )
        for st in stores:
            st.wait()

    return k(table, src, pe2)


def kernel(src, table, pe):
    pe2 = pe.reshape(pe.shape[1], _D)[:_L]
    return _embed_sc(src, table, pe2)

# --- scband reference (transcript-rebuilt; emitter-appended) ---
"""Pipeline reference for scband-embedding-sinusoidal-41953240547877 (READ-ONLY COPY).

The authoritative reference and input builder live on the scoring server;
editing this copy changes nothing except your own understanding.
"""

import math
import jax, jax.numpy as jnp
import numpy as np

D_VOCAB = 100000
D_X = 128
MAX_LEN = 2048
B = 4
L = 2048


def _make_pe():
    pe = np.zeros((MAX_LEN, D_X), dtype=np.float32)
    position = np.arange(0.0, MAX_LEN, dtype=np.float32)[:, None]
    div_term = np.exp(np.arange(0.0, D_X, 2, dtype=np.float32) * (-math.log(10000.0) / D_X))
    pe[:, 0::2] = np.sin(position * div_term)
    pe[:, 1::2] = np.cos(position * div_term)
    return jnp.asarray(pe[None, :, :])  # [1, MAX_LEN, D_X]


def setup_inputs(seed: int = 0) -> dict:
    key = jax.random.key(seed)
    k1, k2 = jax.random.split(key)
    src = jax.random.randint(k1, (B, L), 0, D_VOCAB, dtype=jnp.int32)
    # nn.init.normal_(weight, mean=0, std=1/sqrt(d_x))
    table = jax.random.normal(k2, (D_VOCAB, D_X), dtype=jnp.float32) * (1.0 / math.sqrt(D_X))
    pe = _make_pe()
    return {"src": src, "table": table, "pe": pe}


def reference(src, table, pe):
    # tok_emb = embedding(src) * sqrt(d_x)
    scale = jnp.sqrt(jnp.asarray(D_X, dtype=jnp.float32))
    tok_emb = jnp.take(table, src, axis=0) * scale  # [B, L, D_X]
    # pos_emb = pe[:, :L]
    pos_emb = pe[:, : src.shape[1]]  # [1, L, D_X]
    x = tok_emb + pos_emb
    # dropout p=0.0 -> identity
    return x

if __name__ == "__main__":
    import jax
    _d = setup_inputs()
    print(jax.jit(kernel)(*tuple(_d.values())))

</pallas_src>

<mosaic_0001>
#map = affine_map<(d0, d1) -> (0, 0)>
#map1 = affine_map<(d0, d1) -> (0, 0, 0)>
module attributes {stable_mosaic.version = 14 : i64} {
  func.func @k(%arg0: i32, %arg1: i32, %arg2: memref<100000x128xf32, #tpu.memory_space<hbm>>, %arg3: memref<4x2048xi32, #tpu.memory_space<hbm>>, %arg4: memref<2048x128xf32, #tpu.memory_space<hbm>>, %arg5: memref<4x2048x128xf32, #tpu.memory_space<hbm>>, %arg6: memref<2x128xi32, #tpu.memory_space<vmem>>, %arg7: memref<128x128xf32, #tpu.memory_space<vmem>>, %arg8: memref<128x128xf32, #tpu.memory_space<vmem>>, %arg9: memref<64x128xf32, #tpu.memory_space<vmem>>, %arg10: memref<!tpu.dma_semaphore, #tpu.memory_space<semaphore_mem>>, %arg11: memref<!tpu.dma_semaphore, #tpu.memory_space<semaphore_mem>>, %arg12: memref<!tpu.dma_semaphore, #tpu.memory_space<semaphore_mem>>, %arg13: memref<!tpu.dma_semaphore, #tpu.memory_space<semaphore_mem>>, %arg14: memref<!tpu.dma_semaphore, #tpu.memory_space<semaphore_mem>>, %arg15: memref<!tpu.dma_semaphore, #tpu.memory_space<semaphore_mem>>) attributes {dimension_semantics = [#tpu.dimension_semantics<core_parallel>, #tpu.dimension_semantics<subcore_parallel>], iteration_bounds = array<i64: 2, 16>, scalar_prefetch = 0 : i64, scratch_operands = 10 : i64, tpu.core_type = #tpu.core_type<sc_vector_subcore>, window_params = [{transform_indices = #map}, {transform_indices = #map}, {transform_indices = #map}, {transform_indices = #map1}]} {
    %mul3A = arith.constant 2 : i32
    %mul3A_0 = arith.muli %arg1, %mul3A : i32
    %add3A = arith.addi %mul3A_0, %arg0 : i32
    %mul3A_1 = arith.constant 64 : i32
    %mul3A_2 = arith.muli %add3A, %mul3A_1 : i32
    %dma_start3A = arith.constant 0 : i32
    %dma_start3A_3 = arith.constant 0 : i32
    %dma_start3A_4 = arith.constant 0 : i32
    %dma_start3A_5 = tpu.memref_slice %arg6[%dma_start3A_3, %dma_start3A_4] : memref<2x128xi32, #tpu.memory_space<vmem>> -> memref<1x64xi32, #tpu.memory_space<vmem>>
    %dma_start3A_6 = tpu.memref_squeeze %dma_start3A_5 : memref<1x64xi32, #tpu.memory_space<vmem>> -> memref<64xi32, #tpu.memory_space<vmem>>
    %dma_start3A_7 = tpu.memref_slice %arg3[%dma_start3A, %mul3A_2] : memref<4x2048xi32, #tpu.memory_space<hbm>> -> memref<1x64xi32, #tpu.memory_space<hbm>>
    %dma_start3A_8 = tpu.memref_squeeze %dma_start3A_7 : memref<1x64xi32, #tpu.memory_space<hbm>> -> memref<64xi32, #tpu.memory_space<hbm>>
    %dma_start3A_9 = arith.constant 0 : i32
    %dma_start3A_10 = tpu.memref_slice %arg6[%dma_start3A_3, %dma_start3A_9] : memref<2x128xi32, #tpu.memory_space<vmem>> -> memref<1x64xi32, #tpu.memory_space<vmem>>
    %dma_start3A_11 = tpu.memref_squeeze %dma_start3A_10 : memref<1x64xi32, #tpu.memory_space<vmem>> -> memref<64xi32, #tpu.memory_space<vmem>>
    %dma_start3A_12 = tpu.memref_slice %arg3[%dma_start3A, %mul3A_2] : memref<4x2048xi32, #tpu.memory_space<hbm>> -> memref<1x64xi32, #tpu.memory_space<hbm>>
    %dma_start3A_13 = tpu.memref_squeeze %dma_start3A_12 : memref<1x64xi32, #tpu.memory_space<hbm>> -> memref<64xi32, #tpu.memory_space<hbm>>
    tpu.enqueue_dma source(%dma_start3A_13 : memref<64xi32, #tpu.memory_space<hbm>>) target(%dma_start3A_11 : memref<64xi32, #tpu.memory_space<vmem>>) target_semaphore(%arg14 : memref<!tpu.dma_semaphore, #tpu.memory_space<semaphore_mem>>)
    %dma_start3A_14 = arith.constant 1 : i32
    %dma_start3A_15 = arith.constant 0 : i32
    %dma_start3A_16 = arith.constant 64 : i32
    %dma_start3A_17 = tpu.memref_slice %arg6[%dma_start3A_15, %dma_start3A_16] : memref<2x128xi32, #tpu.memory_space<vmem>> -> memref<1x64xi32, #tpu.memory_space<vmem>>
    %dma_start3A_18 = tpu.memref_squeeze %dma_start3A_17 : memref<1x64xi32, #tpu.memory_space<vmem>> -> memref<64xi32, #tpu.memory_space<vmem>>
    %dma_start3A_19 = tpu.memref_slice %arg3[%dma_start3A_14, %mul3A_2] : memref<4x2048xi32, #tpu.memory_space<hbm>> -> memref<1x64xi32, #tpu.memory_space<hbm>>
    %dma_start3A_20 = tpu.memref_squeeze %dma_start3A_19 : memref<1x64xi32, #tpu.memory_space<hbm>> -> memref<64xi32, #tpu.memory_space<hbm>>
    %dma_start3A_21 = arith.constant 64 : i32
    %dma_start3A_22 = tpu.memref_slice %arg6[%dma_start3A_15, %dma_start3A_21] : memref<2x128xi32, #tpu.memory_space<vmem>> -> memref<1x64xi32, #tpu.memory_space<vmem>>
    %dma_start3A_23 = tpu.memref_squeeze %dma_start3A_22 : memref<1x64xi32, #tpu.memory_space<vmem>> -> memref<64xi32, #tpu.memory_space<vmem>>
    %dma_start3A_24 = tpu.memref_slice %arg3[%dma_start3A_14, %mul3A_2] : memref<4x2048xi32, #tpu.memory_space<hbm>> -> memref<1x64xi32, #tpu.memory_space<hbm>>
    %dma_start3A_25 = tpu.memref_squeeze %dma_start3A_24 : memref<1x64xi32, #tpu.memory_space<hbm>> -> memref<64xi32, #tpu.memory_space<hbm>>
    tpu.enqueue_dma source(%dma_start3A_25 : memref<64xi32, #tpu.memory_space<hbm>>) target(%dma_start3A_23 : memref<64xi32, #tpu.memory_space<vmem>>) target_semaphore(%arg14 : memref<!tpu.dma_semaphore, #tpu.memory_space<semaphore_mem>>)
    %dma_start3A_26 = arith.constant 2 : i32
    %dma_start3A_27 = arith.constant 1 : i32
    %dma_start3A_28 = arith.constant 0 : i32
    %dma_start3A_29 = tpu.memref_slice %arg6[%dma_start3A_27, %dma_start3A_28] : memref<2x128xi32, #tpu.memory_space<vmem>> -> memref<1x64xi32, #tpu.memory_space<vmem>>
    %dma_start3A_30 = tpu.memref_squeeze %dma_start3A_29 : memref<1x64xi32, #tpu.memory_space<vmem>> -> memref<64xi32, #tpu.memory_space<vmem>>
    %dma_start3A_31 = tpu.memref_slice %arg3[%dma_start3A_26, %mul3A_2] : memref<4x2048xi32, #tpu.memory_space<hbm>> -> memref<1x64xi32, #tpu.memory_space<hbm>>
    %dma_start3A_32 = tpu.memref_squeeze %dma_start3A_31 : memref<1x64xi32, #tpu.memory_space<hbm>> -> memref<64xi32, #tpu.memory_space<hbm>>
    %dma_start3A_33 = arith.constant 0 : i32
    %dma_start3A_34 = tpu.memref_slice %arg6[%dma_start3A_27, %dma_start3A_33] : memref<2x128xi32, #tpu.memory_space<vmem>> -> memref<1x64xi32, #tpu.memory_space<vmem>>
    %dma_start3A_35 = tpu.memref_squeeze %dma_start3A_34 : memref<1x64xi32, #tpu.memory_space<vmem>> -> memref<64xi32, #tpu.memory_space<vmem>>
    %dma_start3A_36 = tpu.memref_slice %arg3[%dma_start3A_26, %mul3A_2] : memref<4x2048xi32, #tpu.memory_space<hbm>> -> memref<1x64xi32, #tpu.memory_space<hbm>>
    %dma_start3A_37 = tpu.memref_squeeze %dma_start3A_36 : memref<1x64xi32, #tpu.memory_space<hbm>> -> memref<64xi32, #tpu.memory_space<hbm>>
    tpu.enqueue_dma source(%dma_start3A_37 : memref<64xi32, #tpu.memory_space<hbm>>) target(%dma_start3A_35 : memref<64xi32, #tpu.memory_space<vmem>>) target_semaphore(%arg15 : memref<!tpu.dma_semaphore, #tpu.memory_space<semaphore_mem>>)
    %dma_start3A_38 = arith.constant 3 : i32
    %dma_start3A_39 = arith.constant 1 : i32
    %dma_start3A_40 = arith.constant 64 : i32
    %dma_start3A_41 = tpu.memref_slice %arg6[%dma_start3A_39, %dma_start3A_40] : memref<2x128xi32, #tpu.memory_space<vmem>> -> memref<1x64xi32, #tpu.memory_space<vmem>>
    %dma_start3A_42 = tpu.memref_squeeze %dma_start3A_41 : memref<1x64xi32, #tpu.memory_space<vmem>> -> memref<64xi32, #tpu.memory_space<vmem>>
    %dma_start3A_43 = tpu.memref_slice %arg3[%dma_start3A_38, %mul3A_2] : memref<4x2048xi32, #tpu.memory_space<hbm>> -> memref<1x64xi32, #tpu.memory_space<hbm>>
    %dma_start3A_44 = tpu.memref_squeeze %dma_start3A_43 : memref<1x64xi32, #tpu.memory_space<hbm>> -> memref<64xi32, #tpu.memory_space<hbm>>
    %dma_start3A_45 = arith.constant 64 : i32
    %dma_start3A_46 = tpu.memref_slice %arg6[%dma_start3A_39, %dma_start3A_45] : memref<2x128xi32, #tpu.memory_space<vmem>> -> memref<1x64xi32, #tpu.memory_space<vmem>>
    %dma_start3A_47 = tpu.memref_squeeze %dma_start3A_46 : memref<1x64xi32, #tpu.memory_space<vmem>> -> memref<64xi32, #tpu.memory_space<vmem>>
    %dma_start3A_48 = tpu.memref_slice %arg3[%dma_start3A_38, %mul3A_2] : memref<4x2048xi32, #tpu.memory_space<hbm>> -> memref<1x64xi32, #tpu.memory_space<hbm>>
    %dma_start3A_49 = tpu.memref_squeeze %dma_start3A_48 : memref<1x64xi32, #tpu.memory_space<hbm>> -> memref<64xi32, #tpu.memory_space<hbm>>
    tpu.enqueue_dma source(%dma_start3A_49 : memref<64xi32, #tpu.memory_space<hbm>>) target(%dma_start3A_47 : memref<64xi32, #tpu.memory_space<vmem>>) target_semaphore(%arg15 : memref<!tpu.dma_semaphore, #tpu.memory_space<semaphore_mem>>)
    %dma_start3A_50 = arith.constant 0 : i32
    %dma_start3A_51 = tpu.memref_slice %arg4[%mul3A_2, %dma_start3A_50] : memref<2048x128xf32, #tpu.memory_space<hbm>> -> memref<64x128xf32, #tpu.memory_space<hbm>>
    %dma_start3A_52 = arith.constant 0 : i32
    %dma_start3A_53 = tpu.memref_slice %arg4[%mul3A_2, %dma_start3A_52] : memref<2048x128xf32, #tpu.memory_space<hbm>> -> memref<64x128xf32, #tpu.memory_space<hbm>>
    tpu.enqueue_dma source(%dma_start3A_53 : memref<64x128xf32, #tpu.memory_space<hbm>>) target(%arg9 : memref<64x128xf32, #tpu.memory_space<vmem>>) target_semaphore(%arg12 : memref<!tpu.dma_semaphore, #tpu.memory_space<semaphore_mem>>)
    %dma_wait3A = arith.constant 0 : i32
    %dma_wait3A_54 = arith.constant 0 : i32
    %dma_wait3A_55 = arith.constant 0 : i32
    %dma_wait3A_56 = tpu.memref_slice %arg6[%dma_wait3A_54, %dma_wait3A_55] : memref<2x128xi32, #tpu.memory_space<vmem>> -> memref<1x64xi32, #tpu.memory_space<vmem>>
    %dma_wait3A_57 = tpu.memref_squeeze %dma_wait3A_56 : memref<1x64xi32, #tpu.memory_space<vmem>> -> memref<64xi32, #tpu.memory_space<vmem>>
    %dma_wait3A_58 = tpu.memref_slice %arg3[%dma_wait3A, %mul3A_2] : memref<4x2048xi32, #tpu.memory_space<hbm>> -> memref<1x64xi32, #tpu.memory_space<hbm>>
    %dma_wait3A_59 = tpu.memref_squeeze %dma_wait3A_58 : memref<1x64xi32, #tpu.memory_space<hbm>> -> memref<64xi32, #tpu.memory_space<hbm>>
    %dma_wait3A_60 = arith.constant 0 : i32
    %dma_wait3A_61 = tpu.memref_slice %arg6[%dma_wait3A_54, %dma_wait3A_60] : memref<2x128xi32, #tpu.memory_space<vmem>> -> memref<1x64xi32, #tpu.memory_space<vmem>>
    %dma_wait3A_62 = tpu.memref_squeeze %dma_wait3A_61 : memref<1x64xi32, #tpu.memory_space<vmem>> -> memref<64xi32, #tpu.memory_space<vmem>>
    %dma_wait3A_63 = tpu.memref_slice %arg3[%dma_wait3A, %mul3A_2] : memref<4x2048xi32, #tpu.memory_space<hbm>> -> memref<1x64xi32, #tpu.memory_space<hbm>>
    %dma_wait3A_64 = tpu.memref_squeeze %dma_wait3A_63 : memref<1x64xi32, #tpu.memory_space<hbm>> -> memref<64xi32, #tpu.memory_space<hbm>>
    tpu.wait_dma2 semaphore(%arg14 : memref<!tpu.dma_semaphore, #tpu.memory_space<semaphore_mem>>) src(%dma_wait3A_64 : memref<64xi32, #tpu.memory_space<hbm>>) dst(%dma_wait3A_62 : memref<64xi32, #tpu.memory_space<vmem>>)
    %dma_wait3A_65 = arith.constant 1 : i32
    %dma_wait3A_66 = arith.constant 0 : i32
    %dma_wait3A_67 = arith.constant 64 : i32
    %dma_wait3A_68 = tpu.memref_slice %arg6[%dma_wait3A_66, %dma_wait3A_67] : memref<2x128xi32, #tpu.memory_space<vmem>> -> memref<1x64xi32, #tpu.memory_space<vmem>>
    %dma_wait3A_69 = tpu.memref_squeeze %dma_wait3A_68 : memref<1x64xi32, #tpu.memory_space<vmem>> -> memref<64xi32, #tpu.memory_space<vmem>>
    %dma_wait3A_70 = tpu.memref_slice %arg3[%dma_wait3A_65, %mul3A_2] : memref<4x2048xi32, #tpu.memory_space<hbm>> -> memref<1x64xi32, #tpu.memory_space<hbm>>
    %dma_wait3A_71 = tpu.memref_squeeze %dma_wait3A_70 : memref<1x64xi32, #tpu.memory_space<hbm>> -> memref<64xi32, #tpu.memory_space<hbm>>
    %dma_wait3A_72 = arith.constant 64 : i32
    %dma_wait3A_73 = tpu.memref_slice %arg6[%dma_wait3A_66, %dma_wait3A_72] : memref<2x128xi32, #tpu.memory_space<vmem>> -> memref<1x64xi32, #tpu.memory_space<vmem>>
    %dma_wait3A_74 = tpu.memref_squeeze %dma_wait3A_73 : memref<1x64xi32, #tpu.memory_space<vmem>> -> memref<64xi32, #tpu.memory_space<vmem>>
    %dma_wait3A_75 = tpu.memref_slice %arg3[%dma_wait3A_65, %mul3A_2] : memref<4x2048xi32, #tpu.memory_space<hbm>> -> memref<1x64xi32, #tpu.memory_space<hbm>>
    %dma_wait3A_76 = tpu.memref_squeeze %dma_wait3A_75 : memref<1x64xi32, #tpu.memory_space<hbm>> -> memref<64xi32, #tpu.memory_space<hbm>>
    tpu.wait_dma2 semaphore(%arg14 : memref<!tpu.dma_semaphore, #tpu.memory_space<semaphore_mem>>) src(%dma_wait3A_76 : memref<64xi32, #tpu.memory_space<hbm>>) dst(%dma_wait3A_74 : memref<64xi32, #tpu.memory_space<vmem>>)
    %dma_start3A_77 = arith.constant 0 : i32
    %dma_start3A_78 = arith.constant 0 : i32
    %dma_start3A_79 = tpu.memref_slice %arg6[%dma_start3A_77, %dma_start3A_78] : memref<2x128xi32, #tpu.memory_space<vmem>> -> memref<1x128xi32, #tpu.memory_space<vmem>>
    %dma_start3A_80 = tpu.memref_squeeze %dma_start3A_79 : memref<1x128xi32, #tpu.memory_space<vmem>> -> memref<128xi32, #tpu.memory_space<vmem>>
    %dma_start3A_81 = arith.constant 0 : i32
    %dma_start3A_82 = arith.constant 0 : i32
    %dma_start3A_83 = tpu.memref_slice %arg2[%dma_start3A_81, %dma_start3A_82] : memref<100000x128xf32, #tpu.memory_space<hbm>> -> memref<100000x128xf32, #tpu.memory_space<hbm>>
    tpu.enqueue_indirect_dma source(%dma_start3A_83 : memref<100000x128xf32, #tpu.memory_space<hbm>>) target(%arg7 : memref<128x128xf32, #tpu.memory_space<vmem>>) offsets(%dma_start3A_80 : memref<128xi32, #tpu.memory_space<vmem>>) semaphore(%arg10 : memref<!tpu.dma_semaphore, #tpu.memory_space<semaphore_mem>>)
    %dma_wait3A_84 = arith.constant 2 : i32
    %dma_wait3A_85 = arith.constant 1 : i32
    %dma_wait3A_86 = arith.constant 0 : i32
    %dma_wait3A_87 = tpu.memref_slice %arg6[%dma_wait3A_85, %dma_wait3A_86] : memref<2x128xi32, #tpu.memory_space<vmem>> -> memref<1x64xi32, #tpu.memory_space<vmem>>
    %dma_wait3A_88 = tpu.memref_squeeze %dma_wait3A_87 : memref<1x64xi32, #tpu.memory_space<vmem>> -> memref<64xi32, #tpu.memory_space<vmem>>
    %dma_wait3A_89 = tpu.memref_slice %arg3[%dma_wait3A_84, %mul3A_2] : memref<4x2048xi32, #tpu.memory_space<hbm>> -> memref<1x64xi32, #tpu.memory_space<hbm>>
    %dma_wait3A_90 = tpu.memref_squeeze %dma_wait3A_89 : memref<1x64xi32, #tpu.memory_space<hbm>> -> memref<64xi32, #tpu.memory_space<hbm>>
    %dma_wait3A_91 = arith.constant 0 : i32
    %dma_wait3A_92 = tpu.memref_slice %arg6[%dma_wait3A_85, %dma_wait3A_91] : memref<2x128xi32, #tpu.memory_space<vmem>> -> memref<1x64xi32, #tpu.memory_space<vmem>>
    %dma_wait3A_93 = tpu.memref_squeeze %dma_wait3A_92 : memref<1x64xi32, #tpu.memory_space<vmem>> -> memref<64xi32, #tpu.memory_space<vmem>>
    %dma_wait3A_94 = tpu.memref_slice %arg3[%dma_wait3A_84, %mul3A_2] : memref<4x2048xi32, #tpu.memory_space<hbm>> -> memref<1x64xi32, #tpu.memory_space<hbm>>
    %dma_wait3A_95 = tpu.memref_squeeze %dma_wait3A_94 : memref<1x64xi32, #tpu.memory_space<hbm>> -> memref<64xi32, #tpu.memory_space<hbm>>
    tpu.wait_dma2 semaphore(%arg15 : memref<!tpu.dma_semaphore, #tpu.memory_space<semaphore_mem>>) src(%dma_wait3A_95 : memref<64xi32, #tpu.memory_space<hbm>>) dst(%dma_wait3A_93 : memref<64xi32, #tpu.memory_space<vmem>>)
    %dma_wait3A_96 = arith.constant 3 : i32
    %dma_wait3A_97 = arith.constant 1 : i32
    %dma_wait3A_98 = arith.constant 64 : i32
    %dma_wait3A_99 = tpu.memref_slice %arg6[%dma_wait3A_97, %dma_wait3A_98] : memref<2x128xi32, #tpu.memory_space<vmem>> -> memref<1x64xi32, #tpu.memory_space<vmem>>
    %dma_wait3A_100 = tpu.memref_squeeze %dma_wait3A_99 : memref<1x64xi32, #tpu.memory_space<vmem>> -> memref<64xi32, #tpu.memory_space<vmem>>
    %dma_wait3A_101 = tpu.memref_slice %arg3[%dma_wait3A_96, %mul3A_2] : memref<4x2048xi32, #tpu.memory_space<hbm>> -> memref<1x64xi32, #tpu.memory_space<hbm>>
    %dma_wait3A_102 = tpu.memref_squeeze %dma_wait3A_101 : memref<1x64xi32, #tpu.memory_space<hbm>> -> memref<64xi32, #tpu.memory_space<hbm>>
    %dma_wait3A_103 = arith.constant 64 : i32
    %dma_wait3A_104 = tpu.memref_slice %arg6[%dma_wait3A_97, %dma_wait3A_103] : memref<2x128xi32, #tpu.memory_space<vmem>> -> memref<1x64xi32, #tpu.memory_space<vmem>>
    %dma_wait3A_105 = tpu.memref_squeeze %dma_wait3A_104 : memref<1x64xi32, #tpu.memory_space<vmem>> -> memref<64xi32, #tpu.memory_space<vmem>>
    %dma_wait3A_106 = tpu.memref_slice %arg3[%dma_wait3A_96, %mul3A_2] : memref<4x2048xi32, #tpu.memory_space<hbm>> -> memref<1x64xi32, #tpu.memory_space<hbm>>
    %dma_wait3A_107 = tpu.memref_squeeze %dma_wait3A_106 : memref<1x64xi32, #tpu.memory_space<hbm>> -> memref<64xi32, #tpu.memory_space<hbm>>
    tpu.wait_dma2 semaphore(%arg15 : memref<!tpu.dma_semaphore, #tpu.memory_space<semaphore_mem>>) src(%dma_wait3A_107 : memref<64xi32, #tpu.memory_space<hbm>>) dst(%dma_wait3A_105 : memref<64xi32, #tpu.memory_space<vmem>>)
    %dma_start3A_108 = arith.constant 1 : i32
    %dma_start3A_109 = arith.constant 0 : i32
    %dma_start3A_110 = tpu.memref_slice %arg6[%dma_start3A_108, %dma_start3A_109] : memref<2x128xi32, #tpu.memory_space<vmem>> -> memref<1x128xi32, #tpu.memory_space<vmem>>
    %dma_start3A_111 = tpu.memref_squeeze %dma_start3A_110 : memref<1x128xi32, #tpu.memory_space<vmem>> -> memref<128xi32, #tpu.memory_space<vmem>>
    %dma_start3A_112 = arith.constant 0 : i32
    %dma_start3A_113 = arith.constant 0 : i32
    %dma_start3A_114 = tpu.memref_slice %arg2[%dma_start3A_112, %dma_start3A_113] : memref<100000x128xf32, #tpu.memory_space<hbm>> -> memref<100000x128xf32, #tpu.memory_space<hbm>>
    tpu.enqueue_indirect_dma source(%dma_start3A_114 : memref<100000x128xf32, #tpu.memory_space<hbm>>) target(%arg8 : memref<128x128xf32, #tpu.memory_space<vmem>>) offsets(%dma_start3A_111 : memref<128xi32, #tpu.memory_space<vmem>>) semaphore(%arg11 : memref<!tpu.dma_semaphore, #tpu.memory_space<semaphore_mem>>)
    %dma_wait3A_115 = arith.constant 0 : i32
    %dma_wait3A_116 = tpu.memref_slice %arg4[%mul3A_2, %dma_wait3A_115] : memref<2048x128xf32, #tpu.memory_space<hbm>> -> memref<64x128xf32, #tpu.memory_space<hbm>>
    %dma_wait3A_117 = arith.constant 0 : i32
    %dma_wait3A_118 = tpu.memref_slice %arg4[%mul3A_2, %dma_wait3A_117] : memref<2048x128xf32, #tpu.memory_space<hbm>> -> memref<64x128xf32, #tpu.memory_space<hbm>>
    tpu.wait_dma2 semaphore(%arg12 : memref<!tpu.dma_semaphore, #tpu.memory_space<semaphore_mem>>) src(%dma_wait3A_118 : memref<64x128xf32, #tpu.memory_space<hbm>>) dst(%arg9 : memref<64x128xf32, #tpu.memory_space<vmem>>)
    %dma_wait3A_119 = arith.constant 0 : i32
    %dma_wait3A_120 = arith.constant 0 : i32
    %dma_wait3A_121 = tpu.memref_slice %arg6[%dma_wait3A_119, %dma_wait3A_120] : memref<2x128xi32, #tpu.memory_space<vmem>> -> memref<1x128xi32, #tpu.memory_space<vmem>>
    %dma_wait3A_122 = tpu.memref_squeeze %dma_wait3A_121 : memref<1x128xi32, #tpu.memory_space<vmem>> -> memref<128xi32, #tpu.memory_space<vmem>>
    %dma_wait3A_123 = arith.constant 0 : i32
    %dma_wait3A_124 = arith.constant 0 : i32
    %dma_wait3A_125 = tpu.memref_slice %arg2[%dma_wait3A_123, %dma_wait3A_124] : memref<100000x128xf32, #tpu.memory_space<hbm>> -> memref<100000x128xf32, #tpu.memory_space<hbm>>
    tpu.wait_indirect_dma semaphore(%arg10 : memref<!tpu.dma_semaphore, #tpu.memory_space<semaphore_mem>>) src(%dma_wait3A_125 : memref<100000x128xf32, #tpu.memory_space<hbm>>) dst(%arg7 : memref<128x128xf32, #tpu.memory_space<vmem>>)
    %scan3A = arith.constant 0 : i32
    %scan3A_126 = arith.constant 32 : i32
    %scan3A_127 = arith.addi %scan3A, %scan3A_126 : i32
    %scan3A_128 = arith.constant 1 : i32
    scf.for %scan3A_376 = %scan3A to %scan3A_127 step %scan3A_128  : i32 {
      %mul3A_377 = arith.constant 1 : i32
      %mul3A_378 = arith.muli %scan3A_376, %mul3A_377 : i32
      %add3A_379 = arith.constant 0 : i32
      %add3A_380 = arith.addi %add3A_379, %mul3A_378 : i32
      %scan3A_381 = arith.constant 0 : i32
      %scan3A_382 = arith.constant 8 : i32
      %scan3A_383 = arith.addi %scan3A_381, %scan3A_382 : i32
      %scan3A_384 = arith.constant 1 : i32
      scf.for %scan3A_386 = %scan3A_381 to %scan3A_383 step %scan3A_384  : i32 {
        %mul3A_387 = arith.constant 16 : i32
        %mul3A_388 = arith.muli %scan3A_386, %mul3A_387 : i32
        %add3A_389 = arith.constant 0 : i32
        %add3A_390 = arith.addi %add3A_389, %mul3A_388 : i32
        %get3A = arith.index_cast %add3A_380 : i32 to index
        %get3A_391 = arith.index_cast %add3A_390 : i32 to index
        %get3A_392 = tpu.vector_load %arg9[%get3A, %get3A_391] {strides = array<i32>} : memref<64x128xf32, #tpu.memory_space<vmem>>, vector<1x16xf32>,
        %get3A_393 = vector.shape_cast %get3A_392 : vector<1x16xf32> to vector<16xf32>
        %add3A_394 = arith.constant 64 : i32
        %add3A_395 = arith.addi %add3A_380, %add3A_394 : i32
        %get3A_396 = arith.index_cast %add3A_380 : i32 to index
        %get3A_397 = arith.index_cast %add3A_390 : i32 to index
        %get3A_398 = tpu.vector_load %arg7[%get3A_396, %get3A_397] {strides = array<i32>} : memref<128x128xf32, #tpu.memory_space<vmem>>, vector<1x16xf32>,
        %get3A_399 = vector.shape_cast %get3A_398 : vector<1x16xf32> to vector<16xf32>
        %mul3A_400 = arith.constant 11.3137083 : f32
        %mul3A_401 = vector.broadcast %mul3A_400 : f32 to vector<16xf32>
        %mul3A_402 = arith.mulf %get3A_399, %mul3A_401 : vector<16xf32>
        %add3A_403 = arith.addf %mul3A_402, %get3A_393 : vector<16xf32>
        %swap3A = arith.index_cast %add3A_380 : i32 to index
        %swap3A_404 = arith.index_cast %add3A_390 : i32 to index
        %swap3A_405 = tpu.vector_load %arg7[%swap3A, %swap3A_404] {strides = array<i32>} : memref<128x128xf32, #tpu.memory_space<vmem>>, vector<1x16xf32>,
        %swap3A_406 = vector.shape_cast %swap3A_405 : vector<1x16xf32> to vector<16xf32>
        %swap3A_407 = vector.shape_cast %add3A_403 : vector<16xf32> to vector<1x16xf32>
        tpu.vector_store %arg7[%swap3A, %swap3A_404], %swap3A_407 {strides = array<i32>} : memref<128x128xf32, #tpu.memory_space<vmem>>, vector<1x16xf32>,
        %get3A_408 = arith.index_cast %add3A_395 : i32 to index
        %get3A_409 = arith.index_cast %add3A_390 : i32 to index
        %get3A_410 = tpu.vector_load %arg7[%get3A_408, %get3A_409] {strides = array<i32>} : memref<128x128xf32, #tpu.memory_space<vmem>>, vector<1x16xf32>,
        %get3A_411 = vector.shape_cast %get3A_410 : vector<1x16xf32> to vector<16xf32>
        %mul3A_412 = arith.constant 11.3137083 : f32
        %mul3A_413 = vector.broadcast %mul3A_412 : f32 to vector<16xf32>
        %mul3A_414 = arith.mulf %get3A_411, %mul3A_413 : vector<16xf32>
        %add3A_415 = arith.addf %mul3A_414, %get3A_393 : vector<16xf32>
        %swap3A_416 = arith.index_cast %add3A_395 : i32 to index
        %swap3A_417 = arith.index_cast %add3A_390 : i32 to index
        %swap3A_418 = tpu.vector_load %arg7[%swap3A_416, %swap3A_417] {strides = array<i32>} : memref<128x128xf32, #tpu.memory_space<vmem>>, vector<1x16xf32>,
        %swap3A_419 = vector.shape_cast %swap3A_418 : vector<1x16xf32> to vector<16xf32>
        %swap3A_420 = vector.shape_cast %add3A_415 : vector<16xf32> to vector<1x16xf32>
        tpu.vector_store %arg7[%swap3A_416, %swap3A_417], %swap3A_420 {strides = array<i32>} : memref<128x128xf32, #tpu.memory_space<vmem>>, vector<1x16xf32>,
      }
      %scan3A_385 = arith.constant 8 : i32
    }
    %scan3A_129 = arith.constant 32 : i32
    %add3A_130 = arith.constant 0 : i32
    %add3A_131 = arith.addi %mul3A_2, %add3A_130 : i32
    %dma_start3A_132 = arith.constant 0 : i32
    %dma_start3A_133 = arith.constant 0 : i32
    %dma_start3A_134 = arith.constant 0 : i32
    %dma_start3A_135 = tpu.memref_slice %arg7[%dma_start3A_133, %dma_start3A_134] : memref<128x128xf32, #tpu.memory_space<vmem>> -> memref<32x128xf32, #tpu.memory_space<vmem>>
    %dma_start3A_136 = arith.constant 0 : i32
    %dma_start3A_137 = tpu.memref_slice %arg5[%dma_start3A_132, %add3A_131, %dma_start3A_136] : memref<4x2048x128xf32, #tpu.memory_space<hbm>> -> memref<1x32x128xf32, #tpu.memory_space<hbm>>
    %dma_start3A_138 = tpu.memref_squeeze %dma_start3A_137 : memref<1x32x128xf32, #tpu.memory_space<hbm>> -> memref<32x128xf32, #tpu.memory_space<hbm>>
    %dma_start3A_139 = arith.constant 0 : i32
    %dma_start3A_140 = tpu.memref_slice %arg5[%dma_start3A_132, %add3A_131, %dma_start3A_139] : memref<4x2048x128xf32, #tpu.memory_space<hbm>> -> memref<1x32x128xf32, #tpu.memory_space<hbm>>
    %dma_start3A_141 = tpu.memref_squeeze %dma_start3A_140 : memref<1x32x128xf32, #tpu.memory_space<hbm>> -> memref<32x128xf32, #tpu.memory_space<hbm>>
    %dma_start3A_142 = arith.constant 0 : i32
    %dma_start3A_143 = arith.constant 0 : i32
    %dma_start3A_144 = tpu.memref_slice %arg7[%dma_start3A_142, %dma_start3A_143] : memref<128x128xf32, #tpu.memory_space<vmem>> -> memref<32x128xf32, #tpu.memory_space<vmem>>
    tpu.enqueue_dma source(%dma_start3A_144 : memref<32x128xf32, #tpu.memory_space<vmem>>) target(%dma_start3A_141 : memref<32x128xf32, #tpu.memory_space<hbm>>) target_semaphore(%arg13 : memref<!tpu.dma_semaphore, #tpu.memory_space<semaphore_mem>>)
    %add3A_145 = arith.constant 0 : i32
    %add3A_146 = arith.addi %mul3A_2, %add3A_145 : i32
    %dma_start3A_147 = arith.constant 1 : i32
    %dma_start3A_148 = arith.constant 64 : i32
    %dma_start3A_149 = arith.constant 0 : i32
    %dma_start3A_150 = tpu.memref_slice %arg7[%dma_start3A_148, %dma_start3A_149] : memref<128x128xf32, #tpu.memory_space<vmem>> -> memref<32x128xf32, #tpu.memory_space<vmem>>
    %dma_start3A_151 = arith.constant 0 : i32
    %dma_start3A_152 = tpu.memref_slice %arg5[%dma_start3A_147, %add3A_146, %dma_start3A_151] : memref<4x2048x128xf32, #tpu.memory_space<hbm>> -> memref<1x32x128xf32, #tpu.memory_space<hbm>>
    %dma_start3A_153 = tpu.memref_squeeze %dma_start3A_152 : memref<1x32x128xf32, #tpu.memory_space<hbm>> -> memref<32x128xf32, #tpu.memory_space<hbm>>
    %dma_start3A_154 = arith.constant 0 : i32
    %dma_start3A_155 = tpu.memref_slice %arg5[%dma_start3A_147, %add3A_146, %dma_start3A_154] : memref<4x2048x128xf32, #tpu.memory_space<hbm>> -> memref<1x32x128xf32, #tpu.memory_space<hbm>>
    %dma_start3A_156 = tpu.memref_squeeze %dma_start3A_155 : memref<1x32x128xf32, #tpu.memory_space<hbm>> -> memref<32x128xf32, #tpu.memory_space<hbm>>
    %dma_start3A_157 = arith.constant 64 : i32
    %dma_start3A_158 = arith.constant 0 : i32
    %dma_start3A_159 = tpu.memref_slice %arg7[%dma_start3A_157, %dma_start3A_158] : memref<128x128xf32, #tpu.memory_space<vmem>> -> memref<32x128xf32, #tpu.memory_space<vmem>>
    tpu.enqueue_dma source(%dma_start3A_159 : memref<32x128xf32, #tpu.memory_space<vmem>>) target(%dma_start3A_156 : memref<32x128xf32, #tpu.memory_space<hbm>>) target_semaphore(%arg13 : memref<!tpu.dma_semaphore, #tpu.memory_space<semaphore_mem>>)
    %scan3A_160 = arith.constant 0 : i32
    %scan3A_161 = arith.constant 32 : i32
    %scan3A_162 = arith.addi %scan3A_160, %scan3A_161 : i32
    %scan3A_163 = arith.constant 1 : i32
    scf.for %scan3A_376 = %scan3A_160 to %scan3A_162 step %scan3A_163  : i32 {
      %mul3A_377 = arith.constant 1 : i32
      %mul3A_378 = arith.muli %scan3A_376, %mul3A_377 : i32
      %add3A_379 = arith.constant 32 : i32
      %add3A_380 = arith.addi %add3A_379, %mul3A_378 : i32
      %scan3A_381 = arith.constant 0 : i32
      %scan3A_382 = arith.constant 8 : i32
      %scan3A_383 = arith.addi %scan3A_381, %scan3A_382 : i32
      %scan3A_384 = arith.constant 1 : i32
      scf.for %scan3A_386 = %scan3A_381 to %scan3A_383 step %scan3A_384  : i32 {
        %mul3A_387 = arith.constant 16 : i32
        %mul3A_388 = arith.muli %scan3A_386, %mul3A_387 : i32
        %add3A_389 = arith.constant 0 : i32
        %add3A_390 = arith.addi %add3A_389, %mul3A_388 : i32
        %get3A = arith.index_cast %add3A_380 : i32 to index
        %get3A_391 = arith.index_cast %add3A_390 : i32 to index
        %get3A_392 = tpu.vector_load %arg9[%get3A, %get3A_391] {strides = array<i32>} : memref<64x128xf32, #tpu.memory_space<vmem>>, vector<1x16xf32>,
        %get3A_393 = vector.shape_cast %get3A_392 : vector<1x16xf32> to vector<16xf32>
        %add3A_394 = arith.constant 64 : i32
        %add3A_395 = arith.addi %add3A_380, %add3A_394 : i32
        %get3A_396 = arith.index_cast %add3A_380 : i32 to index
        %get3A_397 = arith.index_cast %add3A_390 : i32 to index
        %get3A_398 = tpu.vector_load %arg7[%get3A_396, %get3A_397] {strides = array<i32>} : memref<128x128xf32, #tpu.memory_space<vmem>>, vector<1x16xf32>,
        %get3A_399 = vector.shape_cast %get3A_398 : vector<1x16xf32> to vector<16xf32>
        %mul3A_400 = arith.constant 11.3137083 : f32
        %mul3A_401 = vector.broadcast %mul3A_400 : f32 to vector<16xf32>
        %mul3A_402 = arith.mulf %get3A_399, %mul3A_401 : vector<16xf32>
        %add3A_403 = arith.addf %mul3A_402, %get3A_393 : vector<16xf32>
        %swap3A = arith.index_cast %add3A_380 : i32 to index
        %swap3A_404 = arith.index_cast %add3A_390 : i32 to index
        %swap3A_405 = tpu.vector_load %arg7[%swap3A, %swap3A_404] {strides = array<i32>} : memref<128x128xf32, #tpu.memory_space<vmem>>, vector<1x16xf32>,
        %swap3A_406 = vector.shape_cast %swap3A_405 : vector<1x16xf32> to vector<16xf32>
        %swap3A_407 = vector.shape_cast %add3A_403 : vector<16xf32> to vector<1x16xf32>
        tpu.vector_store %arg7[%swap3A, %swap3A_404], %swap3A_407 {strides = array<i32>} : memref<128x128xf32, #tpu.memory_space<vmem>>, vector<1x16xf32>,
        %get3A_408 = arith.index_cast %add3A_395 : i32 to index
        %get3A_409 = arith.index_cast %add3A_390 : i32 to index
        %get3A_410 = tpu.vector_load %arg7[%get3A_408, %get3A_409] {strides = array<i32>} : memref<128x128xf32, #tpu.memory_space<vmem>>, vector<1x16xf32>,
        %get3A_411 = vector.shape_cast %get3A_410 : vector<1x16xf32> to vector<16xf32>
        %mul3A_412 = arith.constant 11.3137083 : f32
        %mul3A_413 = vector.broadcast %mul3A_412 : f32 to vector<16xf32>
        %mul3A_414 = arith.mulf %get3A_411, %mul3A_413 : vector<16xf32>
        %add3A_415 = arith.addf %mul3A_414, %get3A_393 : vector<16xf32>
        %swap3A_416 = arith.index_cast %add3A_395 : i32 to index
        %swap3A_417 = arith.index_cast %add3A_390 : i32 to index
        %swap3A_418 = tpu.vector_load %arg7[%swap3A_416, %swap3A_417] {strides = array<i32>} : memref<128x128xf32, #tpu.memory_space<vmem>>, vector<1x16xf32>,
        %swap3A_419 = vector.shape_cast %swap3A_418 : vector<1x16xf32> to vector<16xf32>
        %swap3A_420 = vector.shape_cast %add3A_415 : vector<16xf32> to vector<1x16xf32>
        tpu.vector_store %arg7[%swap3A_416, %swap3A_417], %swap3A_420 {strides = array<i32>} : memref<128x128xf32, #tpu.memory_space<vmem>>, vector<1x16xf32>,
      }
      %scan3A_385 = arith.constant 8 : i32
    }
    %scan3A_164 = arith.constant 32 : i32
    %add3A_165 = arith.constant 32 : i32
    %add3A_166 = arith.addi %mul3A_2, %add3A_165 : i32
    %dma_start3A_167 = arith.constant 0 : i32
    %dma_start3A_168 = arith.constant 32 : i32
    %dma_start3A_169 = arith.constant 0 : i32
    %dma_start3A_170 = tpu.memref_slice %arg7[%dma_start3A_168, %dma_start3A_169] : memref<128x128xf32, #tpu.memory_space<vmem>> -> memref<32x128xf32, #tpu.memory_space<vmem>>
    %dma_start3A_171 = arith.constant 0 : i32
    %dma_start3A_172 = tpu.memref_slice %arg5[%dma_start3A_167, %add3A_166, %dma_start3A_171] : memref<4x2048x128xf32, #tpu.memory_space<hbm>> -> memref<1x32x128xf32, #tpu.memory_space<hbm>>
    %dma_start3A_173 = tpu.memref_squeeze %dma_start3A_172 : memref<1x32x128xf32, #tpu.memory_space<hbm>> -> memref<32x128xf32, #tpu.memory_space<hbm>>
    %dma_start3A_174 = arith.constant 0 : i32
    %dma_start3A_175 = tpu.memref_slice %arg5[%dma_start3A_167, %add3A_166, %dma_start3A_174] : memref<4x2048x128xf32, #tpu.memory_space<hbm>> -> memref<1x32x128xf32, #tpu.memory_space<hbm>>
    %dma_start3A_176 = tpu.memref_squeeze %dma_start3A_175 : memref<1x32x128xf32, #tpu.memory_space<hbm>> -> memref<32x128xf32, #tpu.memory_space<hbm>>
    %dma_start3A_177 = arith.constant 32 : i32
    %dma_start3A_178 = arith.constant 0 : i32
    %dma_start3A_179 = tpu.memref_slice %arg7[%dma_start3A_177, %dma_start3A_178] : memref<128x128xf32, #tpu.memory_space<vmem>> -> memref<32x128xf32, #tpu.memory_space<vmem>>
    tpu.enqueue_dma source(%dma_start3A_179 : memref<32x128xf32, #tpu.memory_space<vmem>>) target(%dma_start3A_176 : memref<32x128xf32, #tpu.memory_space<hbm>>) target_semaphore(%arg13 : memref<!tpu.dma_semaphore, #tpu.memory_space<semaphore_mem>>)
    %add3A_180 = arith.constant 32 : i32
    %add3A_181 = arith.addi %mul3A_2, %add3A_180 : i32
    %dma_start3A_182 = arith.constant 1 : i32
    %dma_start3A_183 = arith.constant 96 : i32
    %dma_start3A_184 = arith.constant 0 : i32
    %dma_start3A_185 = tpu.memref_slice %arg7[%dma_start3A_183, %dma_start3A_184] : memref<128x128xf32, #tpu.memory_space<vmem>> -> memref<32x128xf32, #tpu.memory_space<vmem>>
    %dma_start3A_186 = arith.constant 0 : i32
    %dma_start3A_187 = tpu.memref_slice %arg5[%dma_start3A_182, %add3A_181, %dma_start3A_186] : memref<4x2048x128xf32, #tpu.memory_space<hbm>> -> memref<1x32x128xf32, #tpu.memory_space<hbm>>
    %dma_start3A_188 = tpu.memref_squeeze %dma_start3A_187 : memref<1x32x128xf32, #tpu.memory_space<hbm>> -> memref<32x128xf32, #tpu.memory_space<hbm>>
    %dma_start3A_189 = arith.constant 0 : i32
    %dma_start3A_190 = tpu.memref_slice %arg5[%dma_start3A_182, %add3A_181, %dma_start3A_189] : memref<4x2048x128xf32, #tpu.memory_space<hbm>> -> memref<1x32x128xf32, #tpu.memory_space<hbm>>
    %dma_start3A_191 = tpu.memref_squeeze %dma_start3A_190 : memref<1x32x128xf32, #tpu.memory_space<hbm>> -> memref<32x128xf32, #tpu.memory_space<hbm>>
    %dma_start3A_192 = arith.constant 96 : i32
    %dma_start3A_193 = arith.constant 0 : i32
    %dma_start3A_194 = tpu.memref_slice %arg7[%dma_start3A_192, %dma_start3A_193] : memref<128x128xf32, #tpu.memory_space<vmem>> -> memref<32x128xf32, #tpu.memory_space<vmem>>
    tpu.enqueue_dma source(%dma_start3A_194 : memref<32x128xf32, #tpu.memory_space<vmem>>) target(%dma_start3A_191 : memref<32x128xf32, #tpu.memory_space<hbm>>) target_semaphore(%arg13 : memref<!tpu.dma_semaphore, #tpu.memory_space<semaphore_mem>>)
    %dma_wait3A_195 = arith.constant 1 : i32
    %dma_wait3A_196 = arith.constant 0 : i32
    %dma_wait3A_197 = tpu.memref_slice %arg6[%dma_wait3A_195, %dma_wait3A_196] : memref<2x128xi32, #tpu.memory_space<vmem>> -> memref<1x128xi32, #tpu.memory_space<vmem>>
    %dma_wait3A_198 = tpu.memref_squeeze %dma_wait3A_197 : memref<1x128xi32, #tpu.memory_space<vmem>> -> memref<128xi32, #tpu.memory_space<vmem>>
    %dma_wait3A_199 = arith.constant 0 : i32
    %dma_wait3A_200 = arith.constant 0 : i32
    %dma_wait3A_201 = tpu.memref_slice %arg2[%dma_wait3A_199, %dma_wait3A_200] : memref<100000x128xf32, #tpu.memory_space<hbm>> -> memref<100000x128xf32, #tpu.memory_space<hbm>>
    tpu.wait_indirect_dma semaphore(%arg11 : memref<!tpu.dma_semaphore, #tpu.memory_space<semaphore_mem>>) src(%dma_wait3A_201 : memref<100000x128xf32, #tpu.memory_space<hbm>>) dst(%arg8 : memref<128x128xf32, #tpu.memory_space<vmem>>)
    %scan3A_202 = arith.constant 0 : i32
    %scan3A_203 = arith.constant 32 : i32
    %scan3A_204 = arith.addi %scan3A_202, %scan3A_203 : i32
    %scan3A_205 = arith.constant 1 : i32
    scf.for %scan3A_376 = %scan3A_202 to %scan3A_204 step %scan3A_205  : i32 {
      %mul3A_377 = arith.constant 1 : i32
      %mul3A_378 = arith.muli %scan3A_376, %mul3A_377 : i32
      %add3A_379 = arith.constant 0 : i32
      %add3A_380 = arith.addi %add3A_379, %mul3A_378 : i32
      %scan3A_381 = arith.constant 0 : i32
      %scan3A_382 = arith.constant 8 : i32
      %scan3A_383 = arith.addi %scan3A_381, %scan3A_382 : i32
      %scan3A_384 = arith.constant 1 : i32
      scf.for %scan3A_386 = %scan3A_381 to %scan3A_383 step %scan3A_384  : i32 {
        %mul3A_387 = arith.constant 16 : i32
        %mul3A_388 = arith.muli %scan3A_386, %mul3A_387 : i32
        %add3A_389 = arith.constant 0 : i32
        %add3A_390 = arith.addi %add3A_389, %mul3A_388 : i32
        %get3A = arith.index_cast %add3A_380 : i32 to index
        %get3A_391 = arith.index_cast %add3A_390 : i32 to index
        %get3A_392 = tpu.vector_load %arg9[%get3A, %get3A_391] {strides = array<i32>} : memref<64x128xf32, #tpu.memory_space<vmem>>, vector<1x16xf32>,
        %get3A_393 = vector.shape_cast %get3A_392 : vector<1x16xf32> to vector<16xf32>
        %add3A_394 = arith.constant 64 : i32
        %add3A_395 = arith.addi %add3A_380, %add3A_394 : i32
        %get3A_396 = arith.index_cast %add3A_380 : i32 to index
        %get3A_397 = arith.index_cast %add3A_390 : i32 to index
        %get3A_398 = tpu.vector_load %arg8[%get3A_396, %get3A_397] {strides = array<i32>} : memref<128x128xf32, #tpu.memory_space<vmem>>, vector<1x16xf32>,
        %get3A_399 = vector.shape_cast %get3A_398 : vector<1x16xf32> to vector<16xf32>
        %mul3A_400 = arith.constant 11.3137083 : f32
        %mul3A_401 = vector.broadcast %mul3A_400 : f32 to vector<16xf32>
        %mul3A_402 = arith.mulf %get3A_399, %mul3A_401 : vector<16xf32>
        %add3A_403 = arith.addf %mul3A_402, %get3A_393 : vector<16xf32>
        %swap3A = arith.index_cast %add3A_380 : i32 to index
        %swap3A_404 = arith.index_cast %add3A_390 : i32 to index
        %swap3A_405 = tpu.vector_load %arg8[%swap3A, %swap3A_404] {strides = array<i32>} : memref<128x128xf32, #tpu.memory_space<vmem>>, vector<1x16xf32>,
        %swap3A_406 = vector.shape_cast %swap3A_405 : vector<1x16xf32> to vector<16xf32>
        %swap3A_407 = vector.shape_cast %add3A_403 : vector<16xf32> to vector<1x16xf32>
        tpu.vector_store %arg8[%swap3A, %swap3A_404], %swap3A_407 {strides = array<i32>} : memref<128x128xf32, #tpu.memory_space<vmem>>, vector<1x16xf32>,
        %get3A_408 = arith.index_cast %add3A_395 : i32 to index
        %get3A_409 = arith.index_cast %add3A_390 : i32 to index
        %get3A_410 = tpu.vector_load %arg8[%get3A_408, %get3A_409] {strides = array<i32>} : memref<128x128xf32, #tpu.memory_space<vmem>>, vector<1x16xf32>,
        %get3A_411 = vector.shape_cast %get3A_410 : vector<1x16xf32> to vector<16xf32>
        %mul3A_412 = arith.constant 11.3137083 : f32
        %mul3A_413 = vector.broadcast %mul3A_412 : f32 to vector<16xf32>
        %mul3A_414 = arith.mulf %get3A_411, %mul3A_413 : vector<16xf32>
        %add3A_415 = arith.addf %mul3A_414, %get3A_393 : vector<16xf32>
        %swap3A_416 = arith.index_cast %add3A_395 : i32 to index
        %swap3A_417 = arith.index_cast %add3A_390 : i32 to index
        %swap3A_418 = tpu.vector_load %arg8[%swap3A_416, %swap3A_417] {strides = array<i32>} : memref<128x128xf32, #tpu.memory_space<vmem>>, vector<1x16xf32>,
        %swap3A_419 = vector.shape_cast %swap3A_418 : vector<1x16xf32> to vector<16xf32>
        %swap3A_420 = vector.shape_cast %add3A_415 : vector<16xf32> to vector<1x16xf32>
        tpu.vector_store %arg8[%swap3A_416, %swap3A_417], %swap3A_420 {strides = array<i32>} : memref<128x128xf32, #tpu.memory_space<vmem>>, vector<1x16xf32>,
      }
      %scan3A_385 = arith.constant 8 : i32
    }
    %scan3A_206 = arith.constant 32 : i32
    %add3A_207 = arith.constant 0 : i32
    %add3A_208 = arith.addi %mul3A_2, %add3A_207 : i32
    %dma_start3A_209 = arith.constant 2 : i32
    %dma_start3A_210 = arith.constant 0 : i32
    %dma_start3A_211 = arith.constant 0 : i32
    %dma_start3A_212 = tpu.memref_slice %arg8[%dma_start3A_210, %dma_start3A_211] : memref<128x128xf32, #tpu.memory_space<vmem>> -> memref<32x128xf32, #tpu.memory_space<vmem>>
    %dma_start3A_213 = arith.constant 0 : i32
    %dma_start3A_214 = tpu.memref_slice %arg5[%dma_start3A_209, %add3A_208, %dma_start3A_213] : memref<4x2048x128xf32, #tpu.memory_space<hbm>> -> memref<1x32x128xf32, #tpu.memory_space<hbm>>
    %dma_start3A_215 = tpu.memref_squeeze %dma_start3A_214 : memref<1x32x128xf32, #tpu.memory_space<hbm>> -> memref<32x128xf32, #tpu.memory_space<hbm>>
    %dma_start3A_216 = arith.constant 0 : i32
    %dma_start3A_217 = tpu.memref_slice %arg5[%dma_start3A_209, %add3A_208, %dma_start3A_216] : memref<4x2048x128xf32, #tpu.memory_space<hbm>> -> memref<1x32x128xf32, #tpu.memory_space<hbm>>
    %dma_start3A_218 = tpu.memref_squeeze %dma_start3A_217 : memref<1x32x128xf32, #tpu.memory_space<hbm>> -> memref<32x128xf32, #tpu.memory_space<hbm>>
    %dma_start3A_219 = arith.constant 0 : i32
    %dma_start3A_220 = arith.constant 0 : i32
    %dma_start3A_221 = tpu.memref_slice %arg8[%dma_start3A_219, %dma_start3A_220] : memref<128x128xf32, #tpu.memory_space<vmem>> -> memref<32x128xf32, #tpu.memory_space<vmem>>
    tpu.enqueue_dma source(%dma_start3A_221 : memref<32x128xf32, #tpu.memory_space<vmem>>) target(%dma_start3A_218 : memref<32x128xf32, #tpu.memory_space<hbm>>) target_semaphore(%arg13 : memref<!tpu.dma_semaphore, #tpu.memory_space<semaphore_mem>>)
    %add3A_222 = arith.constant 0 : i32
    %add3A_223 = arith.addi %mul3A_2, %add3A_222 : i32
    %dma_start3A_224 = arith.constant 3 : i32
    %dma_start3A_225 = arith.constant 64 : i32
    %dma_start3A_226 = arith.constant 0 : i32
    %dma_start3A_227 = tpu.memref_slice %arg8[%dma_start3A_225, %dma_start3A_226] : memref<128x128xf32, #tpu.memory_space<vmem>> -> memref<32x128xf32, #tpu.memory_space<vmem>>
    %dma_start3A_228 = arith.constant 0 : i32
    %dma_start3A_229 = tpu.memref_slice %arg5[%dma_start3A_224, %add3A_223, %dma_start3A_228] : memref<4x2048x128xf32, #tpu.memory_space<hbm>> -> memref<1x32x128xf32, #tpu.memory_space<hbm>>
    %dma_start3A_230 = tpu.memref_squeeze %dma_start3A_229 : memref<1x32x128xf32, #tpu.memory_space<hbm>> -> memref<32x128xf32, #tpu.memory_space<hbm>>
    %dma_start3A_231 = arith.constant 0 : i32
    %dma_start3A_232 = tpu.memref_slice %arg5[%dma_start3A_224, %add3A_223, %dma_start3A_231] : memref<4x2048x128xf32, #tpu.memory_space<hbm>> -> memref<1x32x128xf32, #tpu.memory_space<hbm>>
    %dma_start3A_233 = tpu.memref_squeeze %dma_start3A_232 : memref<1x32x128xf32, #tpu.memory_space<hbm>> -> memref<32x128xf32, #tpu.memory_space<hbm>>
    %dma_start3A_234 = arith.constant 64 : i32
    %dma_start3A_235 = arith.constant 0 : i32
    %dma_start3A_236 = tpu.memref_slice %arg8[%dma_start3A_234, %dma_start3A_235] : memref<128x128xf32, #tpu.memory_space<vmem>> -> memref<32x128xf32, #tpu.memory_space<vmem>>
    tpu.enqueue_dma source(%dma_start3A_236 : memref<32x128xf32, #tpu.memory_space<vmem>>) target(%dma_start3A_233 : memref<32x128xf32, #tpu.memory_space<hbm>>) target_semaphore(%arg13 : memref<!tpu.dma_semaphore, #tpu.memory_space<semaphore_mem>>)
    %scan3A_237 = arith.constant 0 : i32
    %scan3A_238 = arith.constant 32 : i32
    %scan3A_239 = arith.addi %scan3A_237, %scan3A_238 : i32
    %scan3A_240 = arith.constant 1 : i32
    scf.for %scan3A_376 = %scan3A_237 to %scan3A_239 step %scan3A_240  : i32 {
      %mul3A_377 = arith.constant 1 : i32
      %mul3A_378 = arith.muli %scan3A_376, %mul3A_377 : i32
      %add3A_379 = arith.constant 32 : i32
      %add3A_380 = arith.addi %add3A_379, %mul3A_378 : i32
      %scan3A_381 = arith.constant 0 : i32
      %scan3A_382 = arith.constant 8 : i32
      %scan3A_383 = arith.addi %scan3A_381, %scan3A_382 : i32
      %scan3A_384 = arith.constant 1 : i32
      scf.for %scan3A_386 = %scan3A_381 to %scan3A_383 step %scan3A_384  : i32 {
        %mul3A_387 = arith.constant 16 : i32
        %mul3A_388 = arith.muli %scan3A_386, %mul3A_387 : i32
        %add3A_389 = arith.constant 0 : i32
        %add3A_390 = arith.addi %add3A_389, %mul3A_388 : i32
        %get3A = arith.index_cast %add3A_380 : i32 to index
        %get3A_391 = arith.index_cast %add3A_390 : i32 to index
        %get3A_392 = tpu.vector_load %arg9[%get3A, %get3A_391] {strides = array<i32>} : memref<64x128xf32, #tpu.memory_space<vmem>>, vector<1x16xf32>,
        %get3A_393 = vector.shape_cast %get3A_392 : vector<1x16xf32> to vector<16xf32>
        %add3A_394 = arith.constant 64 : i32
        %add3A_395 = arith.addi %add3A_380, %add3A_394 : i32
        %get3A_396 = arith.index_cast %add3A_380 : i32 to index
        %get3A_397 = arith.index_cast %add3A_390 : i32 to index
        %get3A_398 = tpu.vector_load %arg8[%get3A_396, %get3A_397] {strides = array<i32>} : memref<128x128xf32, #tpu.memory_space<vmem>>, vector<1x16xf32>,
        %get3A_399 = vector.shape_cast %get3A_398 : vector<1x16xf32> to vector<16xf32>
        %mul3A_400 = arith.constant 11.3137083 : f32
        %mul3A_401 = vector.broadcast %mul3A_400 : f32 to vector<16xf32>
        %mul3A_402 = arith.mulf %get3A_399, %mul3A_401 : vector<16xf32>
        %add3A_403 = arith.addf %mul3A_402, %get3A_393 : vector<16xf32>
        %swap3A = arith.index_cast %add3A_380 : i32 to index
        %swap3A_404 = arith.index_cast %add3A_390 : i32 to index
        %swap3A_405 = tpu.vector_load %arg8[%swap3A, %swap3A_404] {strides = array<i32>} : memref<128x128xf32, #tpu.memory_space<vmem>>, vector<1x16xf32>,
        %swap3A_406 = vector.shape_cast %swap3A_405 : vector<1x16xf32> to vector<16xf32>
        %swap3A_407 = vector.shape_cast %add3A_403 : vector<16xf32> to vector<1x16xf32>
        tpu.vector_store %arg8[%swap3A, %swap3A_404], %swap3A_407 {strides = array<i32>} : memref<128x128xf32, #tpu.memory_space<vmem>>, vector<1x16xf32>,
        %get3A_408 = arith.index_cast %add3A_395 : i32 to index
        %get3A_409 = arith.index_cast %add3A_390 : i32 to index
        %get3A_410 = tpu.vector_load %arg8[%get3A_408, %get3A_409] {strides = array<i32>} : memref<128x128xf32, #tpu.memory_space<vmem>>, vector<1x16xf32>,
        %get3A_411 = vector.shape_cast %get3A_410 : vector<1x16xf32> to vector<16xf32>
        %mul3A_412 = arith.constant 11.3137083 : f32
        %mul3A_413 = vector.broadcast %mul3A_412 : f32 to vector<16xf32>
        %mul3A_414 = arith.mulf %get3A_411, %mul3A_413 : vector<16xf32>
        %add3A_415 = arith.addf %mul3A_414, %get3A_393 : vector<16xf32>
        %swap3A_416 = arith.index_cast %add3A_395 : i32 to index
        %swap3A_417 = arith.index_cast %add3A_390 : i32 to index
        %swap3A_418 = tpu.vector_load %arg8[%swap3A_416, %swap3A_417] {strides = array<i32>} : memref<128x128xf32, #tpu.memory_space<vmem>>, vector<1x16xf32>,
        %swap3A_419 = vector.shape_cast %swap3A_418 : vector<1x16xf32> to vector<16xf32>
        %swap3A_420 = vector.shape_cast %add3A_415 : vector<16xf32> to vector<1x16xf32>
        tpu.vector_store %arg8[%swap3A_416, %swap3A_417], %swap3A_420 {strides = array<i32>} : memref<128x128xf32, #tpu.memory_space<vmem>>, vector<1x16xf32>,
      }
      %scan3A_385 = arith.constant 8 : i32
    }
    %scan3A_241 = arith.constant 32 : i32
    %add3A_242 = arith.constant 32 : i32
    %add3A_243 = arith.addi %mul3A_2, %add3A_242 : i32
    %dma_start3A_244 = arith.constant 2 : i32
    %dma_start3A_245 = arith.constant 32 : i32
    %dma_start3A_246 = arith.constant 0 : i32
    %dma_start3A_247 = tpu.memref_slice %arg8[%dma_start3A_245, %dma_start3A_246] : memref<128x128xf32, #tpu.memory_space<vmem>> -> memref<32x128xf32, #tpu.memory_space<vmem>>
    %dma_start3A_248 = arith.constant 0 : i32
    %dma_start3A_249 = tpu.memref_slice %arg5[%dma_start3A_244, %add3A_243, %dma_start3A_248] : memref<4x2048x128xf32, #tpu.memory_space<hbm>> -> memref<1x32x128xf32, #tpu.memory_space<hbm>>
    %dma_start3A_250 = tpu.memref_squeeze %dma_start3A_249 : memref<1x32x128xf32, #tpu.memory_space<hbm>> -> memref<32x128xf32, #tpu.memory_space<hbm>>
    %dma_start3A_251 = arith.constant 0 : i32
    %dma_start3A_252 = tpu.memref_slice %arg5[%dma_start3A_244, %add3A_243, %dma_start3A_251] : memref<4x2048x128xf32, #tpu.memory_space<hbm>> -> memref<1x32x128xf32, #tpu.memory_space<hbm>>
    %dma_start3A_253 = tpu.memref_squeeze %dma_start3A_252 : memref<1x32x128xf32, #tpu.memory_space<hbm>> -> memref<32x128xf32, #tpu.memory_space<hbm>>
    %dma_start3A_254 = arith.constant 32 : i32
    %dma_start3A_255 = arith.constant 0 : i32
    %dma_start3A_256 = tpu.memref_slice %arg8[%dma_start3A_254, %dma_start3A_255] : memref<128x128xf32, #tpu.memory_space<vmem>> -> memref<32x128xf32, #tpu.memory_space<vmem>>
    tpu.enqueue_dma source(%dma_start3A_256 : memref<32x128xf32, #tpu.memory_space<vmem>>) target(%dma_start3A_253 : memref<32x128xf32, #tpu.memory_space<hbm>>) target_semaphore(%arg13 : memref<!tpu.dma_semaphore, #tpu.memory_space<semaphore_mem>>)
    %add3A_257 = arith.constant 32 : i32
    %add3A_258 = arith.addi %mul3A_2, %add3A_257 : i32
    %dma_start3A_259 = arith.constant 3 : i32
    %dma_start3A_260 = arith.constant 96 : i32
    %dma_start3A_261 = arith.constant 0 : i32
    %dma_start3A_262 = tpu.memref_slice %arg8[%dma_start3A_260, %dma_start3A_261] : memref<128x128xf32, #tpu.memory_space<vmem>> -> memref<32x128xf32, #tpu.memory_space<vmem>>
    %dma_start3A_263 = arith.constant 0 : i32
    %dma_start3A_264 = tpu.memref_slice %arg5[%dma_start3A_259, %add3A_258, %dma_start3A_263] : memref<4x2048x128xf32, #tpu.memory_space<hbm>> -> memref<1x32x128xf32, #tpu.memory_space<hbm>>
    %dma_start3A_265 = tpu.memref_squeeze %dma_start3A_264 : memref<1x32x128xf32, #tpu.memory_space<hbm>> -> memref<32x128xf32, #tpu.memory_space<hbm>>
    %dma_start3A_266 = arith.constant 0 : i32
    %dma_start3A_267 = tpu.memref_slice %arg5[%dma_start3A_259, %add3A_258, %dma_start3A_266] : memref<4x2048x128xf32, #tpu.memory_space<hbm>> -> memref<1x32x128xf32, #tpu.memory_space<hbm>>
    %dma_start3A_268 = tpu.memref_squeeze %dma_start3A_267 : memref<1x32x128xf32, #tpu.memory_space<hbm>> -> memref<32x128xf32, #tpu.memory_space<hbm>>
    %dma_start3A_269 = arith.constant 96 : i32
    %dma_start3A_270 = arith.constant 0 : i32
    %dma_start3A_271 = tpu.memref_slice %arg8[%dma_start3A_269, %dma_start3A_270] : memref<128x128xf32, #tpu.memory_space<vmem>> -> memref<32x128xf32, #tpu.memory_space<vmem>>
    tpu.enqueue_dma source(%dma_start3A_271 : memref<32x128xf32, #tpu.memory_space<vmem>>) target(%dma_start3A_268 : memref<32x128xf32, #tpu.memory_space<hbm>>) target_semaphore(%arg13 : memref<!tpu.dma_semaphore, #tpu.memory_space<semaphore_mem>>)
    %dma_wait3A_272 = arith.constant 0 : i32
    %dma_wait3A_273 = arith.constant 0 : i32
    %dma_wait3A_274 = arith.constant 0 : i32
    %dma_wait3A_275 = tpu.memref_slice %arg7[%dma_wait3A_273, %dma_wait3A_274] : memref<128x128xf32, #tpu.memory_space<vmem>> -> memref<32x128xf32, #tpu.memory_space<vmem>>
    %dma_wait3A_276 = arith.constant 0 : i32
    %dma_wait3A_277 = tpu.memref_slice %arg5[%dma_wait3A_272, %add3A_131, %dma_wait3A_276] : memref<4x2048x128xf32, #tpu.memory_space<hbm>> -> memref<1x32x128xf32, #tpu.memory_space<hbm>>
    %dma_wait3A_278 = tpu.memref_squeeze %dma_wait3A_277 : memref<1x32x128xf32, #tpu.memory_space<hbm>> -> memref<32x128xf32, #tpu.memory_space<hbm>>
    %dma_wait3A_279 = arith.constant 0 : i32
    %dma_wait3A_280 = tpu.memref_slice %arg5[%dma_wait3A_272, %add3A_131, %dma_wait3A_279] : memref<4x2048x128xf32, #tpu.memory_space<hbm>> -> memref<1x32x128xf32, #tpu.memory_space<hbm>>
    %dma_wait3A_281 = tpu.memref_squeeze %dma_wait3A_280 : memref<1x32x128xf32, #tpu.memory_space<hbm>> -> memref<32x128xf32, #tpu.memory_space<hbm>>
    %dma_wait3A_282 = arith.constant 0 : i32
    %dma_wait3A_283 = arith.constant 0 : i32
    %dma_wait3A_284 = tpu.memref_slice %arg7[%dma_wait3A_282, %dma_wait3A_283] : memref<128x128xf32, #tpu.memory_space<vmem>> -> memref<32x128xf32, #tpu.memory_space<vmem>>
    tpu.wait_dma2 semaphore(%arg13 : memref<!tpu.dma_semaphore, #tpu.memory_space<semaphore_mem>>) src(%dma_wait3A_284 : memref<32x128xf32, #tpu.memory_space<vmem>>) dst(%dma_wait3A_281 : memref<32x128xf32, #tpu.memory_space<hbm>>)
    %dma_wait3A_285 = arith.constant 1 : i32
    %dma_wait3A_286 = arith.constant 64 : i32
    %dma_wait3A_287 = arith.constant 0 : i32
    %dma_wait3A_288 = tpu.memref_slice %arg7[%dma_wait3A_286, %dma_wait3A_287] : memref<128x128xf32, #tpu.memory_space<vmem>> -> memref<32x128xf32, #tpu.memory_space<vmem>>
    %dma_wait3A_289 = arith.constant 0 : i32
    %dma_wait3A_290 = tpu.memref_slice %arg5[%dma_wait3A_285, %add3A_146, %dma_wait3A_289] : memref<4x2048x128xf32, #tpu.memory_space<hbm>> -> memref<1x32x128xf32, #tpu.memory_space<hbm>>
    %dma_wait3A_291 = tpu.memref_squeeze %dma_wait3A_290 : memref<1x32x128xf32, #tpu.memory_space<hbm>> -> memref<32x128xf32, #tpu.memory_space<hbm>>
    %dma_wait3A_292 = arith.constant 0 : i32
    %dma_wait3A_293 = tpu.memref_slice %arg5[%dma_wait3A_285, %add3A_146, %dma_wait3A_292] : memref<4x2048x128xf32, #tpu.memory_space<hbm>> -> memref<1x32x128xf32, #tpu.memory_space<hbm>>
    %dma_wait3A_294 = tpu.memref_squeeze %dma_wait3A_293 : memref<1x32x128xf32, #tpu.memory_space<hbm>> -> memref<32x128xf32, #tpu.memory_space<hbm>>
    %dma_wait3A_295 = arith.constant 64 : i32
    %dma_wait3A_296 = arith.constant 0 : i32
    %dma_wait3A_297 = tpu.memref_slice %arg7[%dma_wait3A_295, %dma_wait3A_296] : memref<128x128xf32, #tpu.memory_space<vmem>> -> memref<32x128xf32, #tpu.memory_space<vmem>>
    tpu.wait_dma2 semaphore(%arg13 : memref<!tpu.dma_semaphore, #tpu.memory_space<semaphore_mem>>) src(%dma_wait3A_297 : memref<32x128xf32, #tpu.memory_space<vmem>>) dst(%dma_wait3A_294 : memref<32x128xf32, #tpu.memory_space<hbm>>)
    %dma_wait3A_298 = arith.constant 0 : i32
    %dma_wait3A_299 = arith.constant 32 : i32
    %dma_wait3A_300 = arith.constant 0 : i32
    %dma_wait3A_301 = tpu.memref_slice %arg7[%dma_wait3A_299, %dma_wait3A_300] : memref<128x128xf32, #tpu.memory_space<vmem>> -> memref<32x128xf32, #tpu.memory_space<vmem>>
    %dma_wait3A_302 = arith.constant 0 : i32
    %dma_wait3A_303 = tpu.memref_slice %arg5[%dma_wait3A_298, %add3A_166, %dma_wait3A_302] : memref<4x2048x128xf32, #tpu.memory_space<hbm>> -> memref<1x32x128xf32, #tpu.memory_space<hbm>>
    %dma_wait3A_304 = tpu.memref_squeeze %dma_wait3A_303 : memref<1x32x128xf32, #tpu.memory_space<hbm>> -> memref<32x128xf32, #tpu.memory_space<hbm>>
    %dma_wait3A_305 = arith.constant 0 : i32
    %dma_wait3A_306 = tpu.memref_slice %arg5[%dma_wait3A_298, %add3A_166, %dma_wait3A_305] : memref<4x2048x128xf32, #tpu.memory_space<hbm>> -> memref<1x32x128xf32, #tpu.memory_space<hbm>>
    %dma_wait3A_307 = tpu.memref_squeeze %dma_wait3A_306 : memref<1x32x128xf32, #tpu.memory_space<hbm>> -> memref<32x128xf32, #tpu.memory_space<hbm>>
    %dma_wait3A_308 = arith.constant 32 : i32
    %dma_wait3A_309 = arith.constant 0 : i32
    %dma_wait3A_310 = tpu.memref_slice %arg7[%dma_wait3A_308, %dma_wait3A_309] : memref<128x128xf32, #tpu.memory_space<vmem>> -> memref<32x128xf32, #tpu.memory_space<vmem>>
    tpu.wait_dma2 semaphore(%arg13 : memref<!tpu.dma_semaphore, #tpu.memory_space<semaphore_mem>>) src(%dma_wait3A_310 : memref<32x128xf32, #tpu.memory_space<vmem>>) dst(%dma_wait3A_307 : memref<32x128xf32, #tpu.memory_space<hbm>>)
    %dma_wait3A_311 = arith.constant 1 : i32
    %dma_wait3A_312 = arith.constant 96 : i32
    %dma_wait3A_313 = arith.constant 0 : i32
    %dma_wait3A_314 = tpu.memref_slice %arg7[%dma_wait3A_312, %dma_wait3A_313] : memref<128x128xf32, #tpu.memory_space<vmem>> -> memref<32x128xf32, #tpu.memory_space<vmem>>
    %dma_wait3A_315 = arith.constant 0 : i32
    %dma_wait3A_316 = tpu.memref_slice %arg5[%dma_wait3A_311, %add3A_181, %dma_wait3A_315] : memref<4x2048x128xf32, #tpu.memory_space<hbm>> -> memref<1x32x128xf32, #tpu.memory_space<hbm>>
    %dma_wait3A_317 = tpu.memref_squeeze %dma_wait3A_316 : memref<1x32x128xf32, #tpu.memory_space<hbm>> -> memref<32x128xf32, #tpu.memory_space<hbm>>
    %dma_wait3A_318 = arith.constant 0 : i32
    %dma_wait3A_319 = tpu.memref_slice %arg5[%dma_wait3A_311, %add3A_181, %dma_wait3A_318] : memref<4x2048x128xf32, #tpu.memory_space<hbm>> -> memref<1x32x128xf32, #tpu.memory_space<hbm>>
    %dma_wait3A_320 = tpu.memref_squeeze %dma_wait3A_319 : memref<1x32x128xf32, #tpu.memory_space<hbm>> -> memref<32x128xf32, #tpu.memory_space<hbm>>
    %dma_wait3A_321 = arith.constant 96 : i32
    %dma_wait3A_322 = arith.constant 0 : i32
    %dma_wait3A_323 = tpu.memref_slice %arg7[%dma_wait3A_321, %dma_wait3A_322] : memref<128x128xf32, #tpu.memory_space<vmem>> -> memref<32x128xf32, #tpu.memory_space<vmem>>
    tpu.wait_dma2 semaphore(%arg13 : memref<!tpu.dma_semaphore, #tpu.memory_space<semaphore_mem>>) src(%dma_wait3A_323 : memref<32x128xf32, #tpu.memory_space<vmem>>) dst(%dma_wait3A_320 : memref<32x128xf32, #tpu.memory_space<hbm>>)
    %dma_wait3A_324 = arith.constant 2 : i32
    %dma_wait3A_325 = arith.constant 0 : i32
    %dma_wait3A_326 = arith.constant 0 : i32
    %dma_wait3A_327 = tpu.memref_slice %arg8[%dma_wait3A_325, %dma_wait3A_326] : memref<128x128xf32, #tpu.memory_space<vmem>> -> memref<32x128xf32, #tpu.memory_space<vmem>>
    %dma_wait3A_328 = arith.constant 0 : i32
    %dma_wait3A_329 = tpu.memref_slice %arg5[%dma_wait3A_324, %add3A_208, %dma_wait3A_328] : memref<4x2048x128xf32, #tpu.memory_space<hbm>> -> memref<1x32x128xf32, #tpu.memory_space<hbm>>
    %dma_wait3A_330 = tpu.memref_squeeze %dma_wait3A_329 : memref<1x32x128xf32, #tpu.memory_space<hbm>> -> memref<32x128xf32, #tpu.memory_space<hbm>>
    %dma_wait3A_331 = arith.constant 0 : i32
    %dma_wait3A_332 = tpu.memref_slice %arg5[%dma_wait3A_324, %add3A_208, %dma_wait3A_331] : memref<4x2048x128xf32, #tpu.memory_space<hbm>> -> memref<1x32x128xf32, #tpu.memory_space<hbm>>
    %dma_wait3A_333 = tpu.memref_squeeze %dma_wait3A_332 : memref<1x32x128xf32, #tpu.memory_space<hbm>> -> memref<32x128xf32, #tpu.memory_space<hbm>>
    %dma_wait3A_334 = arith.constant 0 : i32
    %dma_wait3A_335 = arith.constant 0 : i32
    %dma_wait3A_336 = tpu.memref_slice %arg8[%dma_wait3A_334, %dma_wait3A_335] : memref<128x128xf32, #tpu.memory_space<vmem>> -> memref<32x128xf32, #tpu.memory_space<vmem>>
    tpu.wait_dma2 semaphore(%arg13 : memref<!tpu.dma_semaphore, #tpu.memory_space<semaphore_mem>>) src(%dma_wait3A_336 : memref<32x128xf32, #tpu.memory_space<vmem>>) dst(%dma_wait3A_333 : memref<32x128xf32, #tpu.memory_space<hbm>>)
    %dma_wait3A_337 = arith.constant 3 : i32
    %dma_wait3A_338 = arith.constant 64 : i32
    %dma_wait3A_339 = arith.constant 0 : i32
    %dma_wait3A_340 = tpu.memref_slice %arg8[%dma_wait3A_338, %dma_wait3A_339] : memref<128x128xf32, #tpu.memory_space<vmem>> -> memref<32x128xf32, #tpu.memory_space<vmem>>
    %dma_wait3A_341 = arith.constant 0 : i32
    %dma_wait3A_342 = tpu.memref_slice %arg5[%dma_wait3A_337, %add3A_223, %dma_wait3A_341] : memref<4x2048x128xf32, #tpu.memory_space<hbm>> -> memref<1x32x128xf32, #tpu.memory_space<hbm>>
    %dma_wait3A_343 = tpu.memref_squeeze %dma_wait3A_342 : memref<1x32x128xf32, #tpu.memory_space<hbm>> -> memref<32x128xf32, #tpu.memory_space<hbm>>
    %dma_wait3A_344 = arith.constant 0 : i32
    %dma_wait3A_345 = tpu.memref_slice %arg5[%dma_wait3A_337, %add3A_223, %dma_wait3A_344] : memref<4x2048x128xf32, #tpu.memory_space<hbm>> -> memref<1x32x128xf32, #tpu.memory_space<hbm>>
    %dma_wait3A_346 = tpu.memref_squeeze %dma_wait3A_345 : memref<1x32x128xf32, #tpu.memory_space<hbm>> -> memref<32x128xf32, #tpu.memory_space<hbm>>
    %dma_wait3A_347 = arith.constant 64 : i32
    %dma_wait3A_348 = arith.constant 0 : i32
    %dma_wait3A_349 = tpu.memref_slice %arg8[%dma_wait3A_347, %dma_wait3A_348] : memref<128x128xf32, #tpu.memory_space<vmem>> -> memref<32x128xf32, #tpu.memory_space<vmem>>
    tpu.wait_dma2 semaphore(%arg13 : memref<!tpu.dma_semaphore, #tpu.memory_space<semaphore_mem>>) src(%dma_wait3A_349 : memref<32x128xf32, #tpu.memory_space<vmem>>) dst(%dma_wait3A_346 : memref<32x128xf32, #tpu.memory_space<hbm>>)
    %dma_wait3A_350 = arith.constant 2 : i32
    %dma_wait3A_351 = arith.constant 32 : i32
    %dma_wait3A_352 = arith.constant 0 : i32
    %dma_wait3A_353 = tpu.memref_slice %arg8[%dma_wait3A_351, %dma_wait3A_352] : memref<128x128xf32, #tpu.memory_space<vmem>> -> memref<32x128xf32, #tpu.memory_space<vmem>>
    %dma_wait3A_354 = arith.constant 0 : i32
    %dma_wait3A_355 = tpu.memref_slice %arg5[%dma_wait3A_350, %add3A_243, %dma_wait3A_354] : memref<4x2048x128xf32, #tpu.memory_space<hbm>> -> memref<1x32x128xf32, #tpu.memory_space<hbm>>
    %dma_wait3A_356 = tpu.memref_squeeze %dma_wait3A_355 : memref<1x32x128xf32, #tpu.memory_space<hbm>> -> memref<32x128xf32, #tpu.memory_space<hbm>>
    %dma_wait3A_357 = arith.constant 0 : i32
    %dma_wait3A_358 = tpu.memref_slice %arg5[%dma_wait3A_350, %add3A_243, %dma_wait3A_357] : memref<4x2048x128xf32, #tpu.memory_space<hbm>> -> memref<1x32x128xf32, #tpu.memory_space<hbm>>
    %dma_wait3A_359 = tpu.memref_squeeze %dma_wait3A_358 : memref<1x32x128xf32, #tpu.memory_space<hbm>> -> memref<32x128xf32, #tpu.memory_space<hbm>>
    %dma_wait3A_360 = arith.constant 32 : i32
    %dma_wait3A_361 = arith.constant 0 : i32
    %dma_wait3A_362 = tpu.memref_slice %arg8[%dma_wait3A_360, %dma_wait3A_361] : memref<128x128xf32, #tpu.memory_space<vmem>> -> memref<32x128xf32, #tpu.memory_space<vmem>>
    tpu.wait_dma2 semaphore(%arg13 : memref<!tpu.dma_semaphore, #tpu.memory_space<semaphore_mem>>) src(%dma_wait3A_362 : memref<32x128xf32, #tpu.memory_space<vmem>>) dst(%dma_wait3A_359 : memref<32x128xf32, #tpu.memory_space<hbm>>)
    %dma_wait3A_363 = arith.constant 3 : i32
    %dma_wait3A_364 = arith.constant 96 : i32
    %dma_wait3A_365 = arith.constant 0 : i32
    %dma_wait3A_366 = tpu.memref_slice %arg8[%dma_wait3A_364, %dma_wait3A_365] : memref<128x128xf32, #tpu.memory_space<vmem>> -> memref<32x128xf32, #tpu.memory_space<vmem>>
    %dma_wait3A_367 = arith.constant 0 : i32
    %dma_wait3A_368 = tpu.memref_slice %arg5[%dma_wait3A_363, %add3A_258, %dma_wait3A_367] : memref<4x2048x128xf32, #tpu.memory_space<hbm>> -> memref<1x32x128xf32, #tpu.memory_space<hbm>>
    %dma_wait3A_369 = tpu.memref_squeeze %dma_wait3A_368 : memref<1x32x128xf32, #tpu.memory_space<hbm>> -> memref<32x128xf32, #tpu.memory_space<hbm>>
    %dma_wait3A_370 = arith.constant 0 : i32
    %dma_wait3A_371 = tpu.memref_slice %arg5[%dma_wait3A_363, %add3A_258, %dma_wait3A_370] : memref<4x2048x128xf32, #tpu.memory_space<hbm>> -> memref<1x32x128xf32, #tpu.memory_space<hbm>>
    %dma_wait3A_372 = tpu.memref_squeeze %dma_wait3A_371 : memref<1x32x128xf32, #tpu.memory_space<hbm>> -> memref<32x128xf32, #tpu.memory_space<hbm>>
    %dma_wait3A_373 = arith.constant 96 : i32
    %dma_wait3A_374 = arith.constant 0 : i32
    %dma_wait3A_375 = tpu.memref_slice %arg8[%dma_wait3A_373, %dma_wait3A_374] : memref<128x128xf32, #tpu.memory_space<vmem>> -> memref<32x128xf32, #tpu.memory_space<vmem>>
    tpu.wait_dma2 semaphore(%arg13 : memref<!tpu.dma_semaphore, #tpu.memory_space<semaphore_mem>>) src(%dma_wait3A_375 : memref<32x128xf32, #tpu.memory_space<vmem>>) dst(%dma_wait3A_372 : memref<32x128xf32, #tpu.memory_space<hbm>>)
    return
  }
}

</mosaic_0001>

<sc_bundles>
// kernel: _embed_sc.3.cloned.1.call-start
scs
__scs_entry_jumppad:
0x0: {  	(pc) =	sbr.rel $0x88, $3  }
0x1: {  	(tag) =	ssettag $0x0;
	lr =	simm.s32 $0x1  }
0x2: {  	[smem:$0x3F9E] =	sst lr;
	_ =	strace $0xD0000000  }
0x3: {  	_ = 	snop  }
0x4: {  	_ = 	snop  }
0x5: {  	_ = 	snop  }
0x6: {  	_ = 	snop  }
0x7: {  	_ = 	snop  }
__scs_overlays_trampoline_lowered:
0x8: {  	[smem:$0x3FAD] =	sst s0  }
0x9: {  	[smem:$0x3FAE] =	sst s1  }
0xa: {  	[smem:$0x3FAF] =	sst s2  }
0xb: {  	[smem:$0x3FB0] =	sst s3  }
0xc: {  	[smem:$0x3FB1] =	sst s4  }
0xd: {  	[smem:$0x3FB2] =	sst s5  }
0xe: {  	[smem:$0x3FB3] =	sst s6  }
0xf: {  	[smem:$0x3FB4] =	sst s7  }
0x10: {  	[smem:$0x3FB5] =	sst s8  }
0x11: {  	[smem:$0x3FB6] =	sst s9;
	s0 =	simm.s32 @!p0 $0x0  }
0x12: {  	s1 =	sld [smem:$0x3F9C];
	s0 =	simm.s32 @p0 $0x1  }
0x13: {  	[smem:$0x3FB7] =	sst s0;
	s0 =	simm.s32 @!p1 $0x0  }
0x14: {  	s2 =	sld [smem:$0x3F9B];
	s0 =	simm.s32 @p1 $0x1  }
0x15: {  	[smem:$0x3FB8] =	sst s0;
	s0 =	simm.s32 @!p2 $0x0  }
0x16: {  	s3 =	sld [smem:$0x3FDB];
	s0 =	simm.s32 @p2 $0x1  }
0x17: {  	s4 =	simm.s32 $0x1BF5;
	[smem:$0x3FBA] =	sst s0  }
0x18: {  	s0 =	sld [smem:$0x3F9D];
	_ =	swait.ge [sflag:s4], $0x0  }
0x19: {  	s7 =	sld [smem:$0x3F9E]  }
0x1a: {  	s8 =	sadd.s32 $0xFFFFE003, lr  }
0x1b: {  	s9 =	sadd.s32 $0xFFFFFEF7, lr;
	s5 =	simm.s32 $0xFFFFFFFF;
	p2 =	slt.u32 s8, $0xFFFFF086  }
0x1c: {  	p1 =	slt.u32 s9, $0xF7A;
	s5 =	simm.s32 @!p2 $0x0  }
0x1d: {  	s5 =	simm.s32 @p1 $0x1;
	p0 =	seq.s32 s7, s2  }
0x1e: {  	s7 =	smul.u32 @!p0 $0xF7A, s2;
	p2 =	seq.s32 @!p0 s5, $0x0  }
0x1f: {  	s9 =	smul.u32 $0xF7A, s1;
	s8 =	simm.s32 @!p0 $0x1BF5;
	p2 =	por !p2, p0  }
0x20: {  	[sflag:s8] =	ssyncset.s32 @!p0 $0xFFFFF086;
	s6 =	sadd.s32 @!p0 s3, s7;
	s7 =	simm.s32 @!p0 $0x108  }
0x21: {  	s3 =	sadd.s32 s3, s9;
	s6 =	sadd.s32 @!p0 $0x88, s6;
	s7 =	simm.s32 @p2 $0x1082  }
0x22: {  	[simem:s7], [sflag:s8] =	dma.local @!p0 [hbm:s6], $0xF7A  }
0x23: {  	s9 =	sor.u32 $0xD0000000, s2;
	s6 =	simm.s32 $0x108;
	_ =	swait.ge @!p0 [sflag:s8], $0x0  }
0x24: {  	s3 =	sadd.s32 $0x88, s3;
	s6 =	simm.s32 @!p1 $0x1082;
	[sflag:s4] =	ssyncset.s32 $0xFFFFF086  }
0x25: {  	[simem:s6], [sflag:s4] =	dma.local [hbm:s3], $0xF7A  }
0x26: {  	[smem:$0x3F9E] =	sst s1;
	(tag) =	ssettag s2;
	_ =	strace s9  }
0x27: {  	s1 =	sld [smem:$0x3FAE]  }
0x28: {  	s2 =	sld [smem:$0x3FAF]  }
0x29: {  	s4 =	sld [smem:$0x3FB1]  }
0x2a: {  	p0 =	seq.s32 s5, $0x0;
	s5 =	sld [smem:$0x3FB2]  }
0x2b: {  	s6 =	sld [smem:$0x3FB3]  }
0x2c: {  	s7 =	sld [smem:$0x3FB4]  }
0x2d: {  	s3 =	simm.s32 $0x108;
	s8 =	sld [smem:$0x3FB5]  }
0x2e: {  	s3 =	simm.s32 @!p0 $0x1082;
	s9 =	sld [smem:$0x3FB6]  }
0x2f: {  	lr =	sadd.s32 s0, s3;
	s0 =	sld [smem:$0x3FAD]  }
0x30: {  	s3 =	sld [smem:$0x3FB0]  }
0x31: {  	[smem:$0x3FB9] =	sst s10  }
0x32: {  	s10 =	sld [smem:$0x3FB7];
	_ =	sdelay $0x3  }
0x33: {  	p0 =	seq.s32 s10, $0x1;
	s10 =	sld [smem:$0x3FB9];
	_ =	sdelay $0x3  }
0x34: {  	[smem:$0x3FB9] =	sst s10  }
0x35: {  	s10 =	sld [smem:$0x3FB8];
	_ =	sdelay $0x3  }
0x36: {  	p1 =	seq.s32 s10, $0x1;
	s10 =	sld [smem:$0x3FB9];
	_ =	sdelay $0x3  }
0x37: {  	[smem:$0x3FB9] =	sst s10  }
0x38: {  	s10 =	sld [smem:$0x3FBA]  }
0x39: {  	_ = 	snop;
	(pc) =	sbr.ind lr, $3  }
0x3a: {  	_ = 	snop  }
0x3b: {  	_ = 	snop  }
0x3c: {  	p2 =	seq.s32 s10, $0x1;
	s10 =	sld [smem:$0x3FB9]  }
0x3d: {  	_ =	shalt  }
0x3e: {  	_ =	shalt  }
0x3f: {  	_ =	shalt  }
0x40: {  	_ =	shalt  }
0x41: {  	_ =	shalt  }
0x42: {  	_ =	shalt  }
0x43: {  	_ =	shalt  }
0x44: {  	_ =	shalt  }
0x45: {  	_ =	shalt  }
0x46: {  	_ =	shalt  }
0x47: {  	_ =	shalt  }
0x48: {  	_ =	shalt  }
0x49: {  	_ =	shalt  }
0x4a: {  	_ =	shalt  }
0x4b: {  	_ =	shalt  }
0x4c: {  	_ =	shalt  }
0x4d: {  	_ =	shalt  }
0x4e: {  	_ =	shalt  }
0x4f: {  	_ =	shalt  }
0x50: {  	_ =	shalt  }
0x51: {  	_ =	shalt  }
0x52: {  	_ =	shalt  }
0x53: {  	_ =	shalt  }
0x54: {  	_ =	shalt  }
0x55: {  	_ =	shalt  }
0x56: {  	_ =	shalt  }
0x57: {  	_ =	shalt  }
0x58: {  	_ =	shalt  }
0x59: {  	_ =	shalt  }
0x5a: {  	_ =	shalt  }
0x5b: {  	_ =	shalt  }
0x5c: {  	_ =	shalt  }
0x5d: {  	_ =	shalt  }
0x5e: {  	_ =	shalt  }
0x5f: {  	_ =	shalt  }
0x60: {  	_ =	shalt  }
0x61: {  	_ =	shalt  }
0x62: {  	_ =	shalt  }
0x63: {  	_ =	shalt  }
0x64: {  	_ =	shalt  }
0x65: {  	_ =	shalt  }
0x66: {  	_ =	shalt  }
0x67: {  	_ =	shalt  }
0x68: {  	_ =	shalt  }
0x69: {  	_ =	shalt  }
0x6a: {  	_ =	shalt  }
0x6b: {  	_ =	shalt  }
0x6c: {  	_ =	shalt  }
0x6d: {  	_ =	shalt  }
0x6e: {  	_ =	shalt  }
0x6f: {  	_ =	shalt  }
0x70: {  	_ =	shalt  }
0x71: {  	_ =	shalt  }
0x72: {  	_ =	shalt  }
0x73: {  	_ =	shalt  }
0x74: {  	_ =	shalt  }
0x75: {  	_ =	shalt  }
0x76: {  	_ =	shalt  }
0x77: {  	_ =	shalt  }
0x78: {  	_ =	shalt  }
0x79: {  	_ =	shalt  }
0x7a: {  	_ =	shalt  }
0x7b: {  	_ =	shalt  }
0x7c: {  	_ =	shalt  }
0x7d: {  	_ =	shalt  }
0x7e: {  	_ =	shalt  }
0x7f: {  	_ =	shalt  }
0x80: {  	_ =	shalt  }
0x81: {  	_ =	shalt  }
0x82: {  	_ =	shalt  }
0x83: {  	_ =	shalt  }
0x84: {  	_ =	shalt  }
0x85: {  	_ =	shalt  }
0x86: {  	_ =	shalt  }
0x87: {  	_ =	shalt  }
.Lfunc_end0:
.L_simem_size_0:
called_computation_lowered:
.L_overlay_start_0:
0x88: {  	s2 =	sld [smem:$0x3FD9]  }
0x89: {  	s3 =	sld [smem:$0x3FFE];
	_ =	sdelay $0x1  }
0x8a: {  	s1 =	srdreg.scid  }
0x8b: {  	s0 =	sand.u32 $0x1, s1  }
0x8c: {  	s18 =	sshll.u32 s0, $0xA;
	s2 =	sadd.s32 s3, s2  }
0x8d: {  	s2 =	sadd.s32 s2, s18  }
0x8e: {  	[smem:$0x3FC5] =	sst s2  }
0x8f: {  	_ = 	snop  }
0x90: {  	s2 =	sld [smem:$0x3FC9]  }
0x91: {  	s19 =	sld [smem:$0x3FC8]  }
0x92: {  	s4 =	sld [smem:$0x3FC7]  }
0x93: {  	s5 =	sld [smem:$0x3FD0];
	(tm) =	ssettm $0x1  }
0x94: {  	s6 =	sld [smem:$0x3FFB];
	_ =	sdelay $0x3  }
0x95: {  	_ =	strace s6  }
0x96: {  	s6 =	sld [smem:$0x3FFC];
	_ =	sdelay $0x3  }
0x97: {  	_ =	strace s6  }
0x98: {  	s6 =	sld [smem:$0x3FFD];
	_ =	sdelay $0x3  }
0x99: {  	_ =	strace s6  }
0x9a: {  	_ =	strace $0x8FFFFFFF  }
0x9b: {  	s20 =	sld [smem:$0x3FDB];
	_ =	sdelay $0x1  }
0x9c: {  	s7 =	simm.s32 $_scs_section_size  }
0x9d: {  	s8 =	simm.s32 $_size__tile_overlayer_lowered;
	s9 =	simm.s32 $_tile_overlayer_lowered  }
0x9e: {  	s23 =	simm.s32 $0x1BFF;
	s22 =	sshll.u32 s9, $0x1;
	s6 =	sadd.s32 s7, s20  }
0x9f: {  	s10 =	simm.s32 $0x0;
	s21 =	sshll.u32 s8, $0x1;
	s8 =	sadd.s32 s22, s6  }
0xa0: {  	[timem:s10], [sflag:s23] =	dma.local [hbm:s8], s21  }
0xa1: {  	_ =	swait.ge [sflag:s23], s21  }
0xa2: {  	s7 =	ssub.s32 $0x0, s21;
	[sflag:s23] =	ssyncset.done $0x0  }
0xa3: {  	[sflag:s23] =	ssyncadd.s32 s7;
	_ =	sdelay $0x1  }
0xa4: {  	s24 =	simm.s32 $0x1B8B  }
0xa5: {  	_ =	swait.ge [sflag:s24], $0x1  }
0xa6: {  	[sflag:s24] =	ssyncset.done $0x0  }
0xa7: {  	s25 =	simm.s32 $0x1B8E;
	[sflag:s24] =	ssyncadd.s32 $0xFFFFFFFF  }
0xa8: {  	s26 =	simm.s32 $execute0_lowered;
	[smem:$0x3FD2] =	sst s25  }
0xa9: {  	s7 =	sshll.u32 s26, $0x1;
	_ =	strace $0x80000046;
	[dreg:$0x1] =	wrdreg $0xFFFFFFFF  }
0xaa: {  	s28 =	simm.s32 $_size_execute0_lowered;
	s6 =	sadd.s32 s6, s7;
	[dreg:$0x0] =	wrdreg $0x0  }
0xab: {  	s7 =	sshll.u32 s28, $0x1;
	[dreg:$0x2] =	wrdreg s6  }
0xac: {  	[dreg:$0x3] =	wrdreg s7  }
0xad: {  	[dreg:$0x4] =	wrdreg $0xC0  }
0xae: {  	_ =	task [dreg:s10], $0x5FFFF  }
0xaf: {  	[dreg:$0x1] =	wrdreg $0xFFFFFFFF  }
0xb0: {  	[dreg:$0x0] =	wrdreg $0x60  }
0xb1: {  	[dreg:$0x2] =	wrdreg s19  }
0xb2: {  	[dreg:$0x3] =	wrdreg s2  }
0xb3: {  	[dreg:$0x4] =	wrdreg s4  }
0xb4: {  	[dreg:$0x5] =	wrdreg s5  }
0xb5: {  	[dreg:$0x6] =	wrdreg $0x9  }
0xb6: {  	_ =	task.clear_ibuf [dreg:s10], $0x7FFFF;
	_ =	strace $0x90000046  }
0xb7: {  	s29 =	simm.s32 $0x9;
	_ =	strace $0x80000048  }
0xb8: {  	_ =	swait.ge [sflag:s29], $0x1  }
0xb9: {  	[sflag:s29] =	ssyncadd.s32 $0xFFFFFFFF  }
0xba: {  	_ =	strace $0x90000048  }
0xbb: {  	_ =	sfence  }
0xbc: {  	s30 =	sld [smem:$0x0];
	_ =	sdelay $0x2  }
0xbd: {  	s31 =	sshll.u32 s1, $0xD;
	s1 =	sshrl.u32 s1, $0x2  }
0xbe: {  	s3 =	sand.u32 $0x4000, s31;
	s1 =	sadd.s32 s1, s30  }
0xbf: {  	s0 =	sor.u32 s3, s0;
	s1 =	sshll.u32 s1, $0x11  }
0xc0: {  	s0 =	sor.u32 s1, s0  }
0xc1: {  	s0 =	sadd.s32 $0x8F2B, s0  }
0xc2: {  	[sflag:s0] =	ssyncadd.remote.s32 $0x1  }
0xc3: {  	_ =	sfence.sel $0xFFFF  }
0xc4: {  	[dreg:$0x0] =	wrdreg $0xFFFFFFFF;
	(pc) =	sbr.abs _section_cstart, $3  }
0xc5: {  	[dreg:$0x1] =	wrdreg $0xFFFFFFFF  }
0xc6: {  	_ =	task.clear_ibuf [dreg:s10], $0x2FFFF;
	_ =	strace $0x9FFFFFFF  }
0xc7: {  	(tm) =	ssettm $0x7FFFFFFF  }
tec
execute0_lowered:
.L_overlay_start_1:
0x0: {  	(tag) =	ssettag $0x1  }
0x1: {  	s1 =	rddreg [dreg:$0x0]  }
0x2: {  	s2 =	rddreg [dreg:$0x1]  }
0x3: {  	s0 =	srdreg.scid;
	s8 =	rddreg [dreg:$0x2]  }
0x4: {  	s3 =	stileid.u32;
	s9 =	rddreg [dreg:$0x3]  }
0x5: {  	s19 =	simm.s32 $0x80;
	s22 =	simm.s32 $0x5;
	s23 =	simm.s32 $0x100  }
0x6: {  	s24 =	simm.s32 $0x6;
	s25 =	simm.s32 $0x4100;
	s28 =	simm.s32 $0x1  }
0x7: {  	s18 =	simm.s32 $0x5100;
	s20 =	simm.s32 $0x7100;
	s0 =	sand.u32 $0x1, s0  }
0x8: {  	s21 =	simm.s32 $0x4;
	s3 =	sshll.u32 s3, $0x7;
	s4 =	sshll.u32 s0, $0x6  }
0x9: {  	s29 =	simm.s32 $0x0;
	s0 =	ssub.s32 $0x2, s0;
	s7 =	sor.u32 s4, s3  }
0xa: {  	s3 =	simm.s32 $0x0;
	s10 =	sshrl.u32 s0, $0x1;
	s5 =	sshll.u32 s7, $0x2  }
0xb: {  	[smem:$0x7FF] =	sst s3;
	s0 =	ssub.s32 s0, s10;
	s31 =	sshll.u32 s7, $0x4  }
0xc: {  	s6 =	sand.u32 $0x1E00, s5;
	_ =	strace $0x80000047;
	s5 =	sor.u32 s4, s5  }
0xd: {  	s8 =	sadd.s32 s8, s31;
	s9 =	sadd.s32 s9, s31;
	s17 =	smax.u32 s0, $0x1  }
0xe: {  	s6 =	sor.u32 s4, s6;
	s11 =	sshrl.u32 s5, $0x3;
	s10 =	sadd.s32 $0x8000, s9  }
0xf: {  	s12 =	sadd.s32 $0x8200, s9;
	s13 =	sadd.s32 $0x10000, s9;
	s14 =	sadd.s32 $0x18000, s9  }
0x10: {  	s15 =	sadd.s32 $0x10200, s9;
	s16 =	sadd.s32 $0x18200, s9;
	s6 =	sshrl.u32 s6, $0x3  }
0x11: {  	s26 =	sor.u32 $0x20, s11;
	s30 =	sor.u32 $0x30, s11;
	s11 =	sadd.s32 $0x200, s9  }
0x12: {  	s4 =	sadd.s32 s2, s6;
	s6 =	sadd.s32 s2, s26;
	s7 =	sadd.s32 s2, s30  }
0x13: {  	s26 =	simm.s32 $0x3;
	s2 =	simm.s32 $0x2;
	s5 =	sadd.s32 $0x10, s4  }
.LBB2_1:
0x14: {  	[tilespmem:s3], [sflag:$0x5] =	stream.linear.gather [hbm4b:s4+s3], $0x40, $0x38;
	[tilespmem:$0xA100] =	vst v63  }
0x15: {  	s0 =	simm.s32 $0x40  }
0x16: {  	[tilespmem:s0], [sflag:$0x5] =	stream.linear.gather [hbm4b:s5+s3], $0x40, $0x38;
	[tilespmem:$0xA100] =	vst v63  }
0x17: {  	_ = 	snop  }
0x18: {  	[tilespmem:s19], [sflag:$0x6] =	stream.linear.gather [hbm4b:s6+s3], $0x40, $0x38;
	[tilespmem:$0xA100] =	vst v63  }
0x19: {  	s0 =	simm.s32 $0xC0  }
0x1a: {  	[tilespmem:s0], [sflag:$0x6] =	stream.linear.gather [hbm4b:s7+s3], $0x40, $0x38;
	[tilespmem:$0xA100] =	vst v63  }
0x1b: {  	s0 =	simm.s32 $0x8100  }
0x1c: {  	[tilespmem:s0], [sflag:$0x3] =	stream.linear.gather [hbm4b:s8+s3], $0x2000, $0x38;
	[tilespmem:$0xA100] =	vst v63  }
0x1d: {  	_ =	swait.ge [sflag:s22], $0x40  }
0x1e: {  	[sflag:s22] =	ssyncset.done $0x0  }
0x1f: {  	[sflag:s22] =	ssyncadd.s32 $0xFFFFFFC0  }
0x20: {  	_ =	swait.ge [sflag:s22], $0x40  }
0x21: {  	[sflag:s22] =	ssyncset.done $0x0  }
0x22: {  	[sflag:s22] =	ssyncadd.s32 $0xFFFFFFC0  }
0x23: {  	[tilespmem:s23], [sflag:$0x1] =	stream.indirect.gather [hbm4b:s1+s19], $0x80, s3, s19, $0xb8;
	[tilespmem:$0xA100] =	vst v63  }
0x24: {  	_ =	swait.ge [sflag:s24], $0x40  }
0x25: {  	[sflag:s24] =	ssyncset.done $0x0  }
0x26: {  	[sflag:s24] =	ssyncadd.s32 $0xFFFFFFC0  }
0x27: {  	_ =	swait.ge [sflag:s24], $0x40  }
0x28: {  	[sflag:s24] =	ssyncset.done $0x0  }
0x29: {  	[sflag:s24] =	ssyncadd.s32 $0xFFFFFFC0  }
0x2a: {  	[tilespmem:s25], [sflag:$0x2] =	stream.indirect.gather [hbm4b:s1+s19], $0x80, s19, s19, $0xb8;
	[tilespmem:$0xA100] =	vst v63  }
0x2b: {  	_ =	swait.ge [sflag:s26], $0x2000  }
0x2c: {  	[sflag:s26] =	ssyncset.done $0x0  }
0x2d: {  	[sflag:s26] =	ssyncadd.s32 $0xFFFFE000  }
0x2e: {  	_ =	swait.ge [sflag:s28], $0x4000  }
0x2f: {  	[sflag:s28] =	ssyncset.done $0x0  }
0x30: {  	s30 =	simm.s32 $0x0;
	[sflag:s28] =	ssyncadd.s32 $0xFFFFC000  }
0x31: {  	v3 =	vld [tilespmem:s30+$0x8100]  }
0x32: {  	v5 =	vld [tilespmem:s30+$0x8110]  }
0x33: {  	v6 =	vld [tilespmem:s30+$0x8120]  }
0x34: {  	v7 =	vld [tilespmem:s30+$0x8130]  }
0x35: {  	v2 =	vld [tilespmem:s30+$0x8140]  }
0x36: {  	v4 =	vld [tilespmem:s30+$0x100]  }
0x37: {  	v8 =	vld [tilespmem:s30+$0x2100]  }
0x38: {  	v1 =	vld [tilespmem:s30+$0x8150]  }
0x39: {  	v9 =	vld [tilespmem:s30+$0x110]  }
0x3a: {  	v10 =	vld [tilespmem:s30+$0x2110]  }
0x3b: {  	v0 =	vld [tilespmem:s30+$0x8160]  }
0x3c: {  	v11 =	vld [tilespmem:s30+$0x120];
	v4 =	vmul.f32 $1.131370830e+01, v4;
	v8 =	vmul.f32 $1.131370830e+01, v8  }
0x3d: {  	v12 =	vld [tilespmem:s30+$0x2120]  }
0x3e: {  	v13 =	vld [tilespmem:s30+$0x130];
	v4 =	vadd.f32 v4, v3;
	v3 =	vadd.f32 v8, v3;
	v8 =	vmul.f32 $1.131370830e+01, v9  }
0x3f: {  	v14 =	vld [tilespmem:s30+$0x2130];
	v10 =	vmul.f32 $1.131370830e+01, v10  }
0x40: {  	v15 =	vld [tilespmem:s30+$0x140];
	[tilespmem:s30+$0x100] =	vst v4;
	v8 =	vadd.f32 v8, v5  }
0x41: {  	v9 =	vld [tilespmem:s30+$0x2140];
	v10 =	vadd.f32 v10, v5;
	[tilespmem:s30+$0x2100] =	vst v3;
	v3 =	vmul.f32 $1.131370830e+01, v11  }
0x42: {  	v4 =	vld [tilespmem:s30+$0x150];
	[tilespmem:s30+$0x110] =	vst v8;
	v8 =	vmul.f32 $1.131370830e+01, v12  }
0x43: {  	v5 =	vld [tilespmem:s30+$0x2150];
	[tilespmem:s30+$0x2110] =	vst v10;
	v10 =	vmul.f32 $1.131370830e+01, v13;
	v11 =	vadd.f32 v3, v6  }
0x44: {  	v63 =	vmul.f32 $1.131370830e+01, v14;
	v3 =	vld [tilespmem:s30+$0x160];
	v8 =	vadd.f32 v8, v6  }
0x45: {  	v10 =	vadd.f32 v10, v7;
	[tilespmem:s30+$0x120] =	vst v11;
	v6 =	vld [tilespmem:s30+$0x2160];
	v11 =	vmul.f32 $1.131370830e+01, v15  }
0x46: {  	s31 =	simm.s32 $0x200;
	v9 =	vmul.f32 $1.131370830e+01, v9;
	[tilespmem:s30+$0x2120] =	vst v8;
	v8 =	vadd.f32 v63, v7;
	v7 =	vld [tilespmem:s30+$0x170]  }
.LBB2_2:
0x47: {  	p0 =	sne.s32 s31, $0x3E00;
	[tilespmem:s30+$0x130] =	vst v10;
	v10 =	vadd.f32 v11, v2;
	v4 =	vmul.f32 $1.131370830e+01, v4;
	v11 =	vld [tilespmem:s30+$0x2170]  }
0x48: {  	s0 =	sshra.s32 s31, $0x2;
	[tilespmem:s30+$0x2130] =	vst v8;
	v2 =	vadd.f32 v9, v2;
	v5 =	vmul.f32 $1.131370830e+01, v5;
	v8 =	vld [tilespmem:s30+$0x8170]  }
0x49: {  	v9 =	vld [tilespmem:s0+$0x8100];
	[tilespmem:s30+$0x140] =	vst v10;
	v4 =	vadd.f32 v4, v1;
	v3 =	vmul.f32 $1.131370830e+01, v3  }
0x4a: {  	v10 =	vld [tilespmem:s0+$0x8110];
	[tilespmem:s30+$0x2140] =	vst v2;
	v1 =	vadd.f32 v5, v1;
	v2 =	vmul.f32 $1.131370830e+01, v6  }
0x4b: {  	v6 =	vld [tilespmem:s0+$0x8120];
	[tilespmem:s30+$0x150] =	vst v4;
	v3 =	vadd.f32 v3, v0;
	v4 =	vmul.f32 $1.131370830e+01, v7  }
0x4c: {  	v7 =	vld [tilespmem:s0+$0x8130];
	[tilespmem:s30+$0x2150] =	vst v1;
	v0 =	vadd.f32 v2, v0;
	v5 =	vmul.f32 $1.131370830e+01, v11  }
0x4d: {  	v2 =	vld [tilespmem:s0+$0x8140];
	[tilespmem:s30+$0x160] =	vst v3;
	v3 =	vadd.f32 v4, v8  }
0x4e: {  	v1 =	vld [tilespmem:s0+$0x8150];
	[tilespmem:s30+$0x2160] =	vst v0;
	v4 =	vadd.f32 v5, v8  }
0x4f: {  	v0 =	vld [tilespmem:s0+$0x8160];
	[tilespmem:s30+$0x170] =	vst v3  }
0x50: {  	v3 =	vld [tilespmem:s0+$0x100];
	[tilespmem:s30+$0x2170] =	vst v4;
	s30 =	smov.u32 s0  }
0x51: {  	v4 =	vld [tilespmem:s30+$0x2100]  }
0x52: {  	v5 =	vld [tilespmem:s30+$0x110]  }
0x53: {  	v8 =	vld [tilespmem:s30+$0x2110]  }
0x54: {  	v11 =	vld [tilespmem:s30+$0x120]  }
0x55: {  	v3 =	vmul.f32 $1.131370830e+01, v3;
	v12 =	vld [tilespmem:s30+$0x2120]  }
0x56: {  	v4 =	vmul.f32 $1.131370830e+01, v4;
	v13 =	vld [tilespmem:s30+$0x130]  }
0x57: {  	v3 =	vadd.f32 v3, v9;
	v5 =	vmul.f32 $1.131370830e+01, v5;
	v14 =	vld [tilespmem:s30+$0x2130]  }
0x58: {  	v4 =	vadd.f32 v4, v9;
	v8 =	vmul.f32 $1.131370830e+01, v8;
	v9 =	vld [tilespmem:s30+$0x140]  }
0x59: {  	[tilespmem:s30+$0x100] =	vst v3;
	v3 =	vadd.f32 v5, v10;
	v5 =	vmul.f32 $1.131370830e+01, v11;
	v15 =	vld [tilespmem:s30+$0x2140]  }
.Ltmp0:
0x5a: {  	[tilespmem:s30+$0x2100] =	vst v4;
	v8 =	vadd.f32 v8, v10;
	v10 =	vmul.f32 $1.131370830e+01, v12;
	v4 =	vld [tilespmem:s30+$0x150];
	(pc) =	sbr.rel @p0 .LBB2_2-.Ltmp0, $4  }
0x5b: {  	[tilespmem:s30+$0x110] =	vst v3;
	v11 =	vadd.f32 v5, v6;
	v12 =	vmul.f32 $1.131370830e+01, v13;
	v5 =	vld [tilespmem:s30+$0x2150]  }
0x5c: {  	[tilespmem:s30+$0x2110] =	vst v8;
	v8 =	vadd.f32 v10, v6;
	v13 =	vmul.f32 $1.131370830e+01, v14;
	v3 =	vld [tilespmem:s30+$0x160]  }
0x5d: {  	[tilespmem:s30+$0x120] =	vst v11;
	v10 =	vadd.f32 v12, v7;
	v11 =	vmul.f32 $1.131370830e+01, v9;
	v6 =	vld [tilespmem:s30+$0x2160]  }
0x5e: {  	s31 =	sadd.s32 $0x200, s31;
	[tilespmem:s30+$0x2120] =	vst v8;
	v8 =	vadd.f32 v13, v7;
	v9 =	vmul.f32 $1.131370830e+01, v15;
	v7 =	vld [tilespmem:s30+$0x170]  }
0x5f: {  	[tilespmem:s30+$0x130] =	vst v10;
	v10 =	vld [tilespmem:s30+$0x2170];
	v11 =	vadd.f32 v11, v2;
	v4 =	vmul.f32 $1.131370830e+01, v4  }
0x60: {  	[tilespmem:s30+$0x2130] =	vst v8;
	v2 =	vadd.f32 v9, v2;
	v5 =	vmul.f32 $1.131370830e+01, v5;
	v8 =	vld [tilespmem:s30+$0x8170]  }
0x61: {  	[tilespmem:s30+$0x140] =	vst v11;
	v4 =	vadd.f32 v4, v1;
	v3 =	vmul.f32 $1.131370830e+01, v3  }
0x62: {  	[tilespmem:s30+$0x2140] =	vst v2;
	v1 =	vadd.f32 v5, v1;
	v2 =	vmul.f32 $1.131370830e+01, v6  }
0x63: {  	[tilespmem:s30+$0x150] =	vst v4;
	v3 =	vadd.f32 v3, v0;
	v4 =	vmul.f32 $1.131370830e+01, v7  }
0x64: {  	[tilespmem:s30+$0x2150] =	vst v1;
	v0 =	vadd.f32 v2, v0;
	v1 =	vmul.f32 $1.131370830e+01, v10  }
0x65: {  	[tilespmem:s30+$0x160] =	vst v3;
	v2 =	vadd.f32 v4, v8  }
0x66: {  	[tilespmem:s30+$0x2160] =	vst v0;
	v0 =	vadd.f32 v1, v8  }
0x67: {  	[tilespmem:s30+$0x170] =	vst v2  }
0x68: {  	s0 =	simm.s32 $0x0;
	[tilespmem:s30+$0x2170] =	vst v0  }
0x69: {  	[hbm4b:s9+s0] =	stream.linear.scatter [tilespmem:s23], [sflag:$0x4], $0x1000, $0x38;
	[tilespmem:$0xA100] =	vst v63  }
0x6a: {  	s30 =	simm.s32 $0x2100  }
0x6b: {  	[hbm4b:s10+s0] =	stream.linear.scatter [tilespmem:s30], [sflag:$0x4], $0x1000, $0x38;
	[tilespmem:$0xA100] =	vst v63  }
0x6c: {  	s30 =	simm.s32 $0x0  }
0x6d: {  	v3 =	vld [tilespmem:s30+$0x9100]  }
0x6e: {  	v5 =	vld [tilespmem:s30+$0x9110]  }
0x6f: {  	v6 =	vld [tilespmem:s30+$0x9120]  }
0x70: {  	v7 =	vld [tilespmem:s30+$0x9130]  }
0x71: {  	v2 =	vld [tilespmem:s30+$0x9140]  }
0x72: {  	v4 =	vld [tilespmem:s30+$0x1100]  }
0x73: {  	v8 =	vld [tilespmem:s30+$0x3100]  }
0x74: {  	v1 =	vld [tilespmem:s30+$0x9150]  }
0x75: {  	v9 =	vld [tilespmem:s30+$0x1110]  }
0x76: {  	v10 =	vld [tilespmem:s30+$0x3110]  }
0x77: {  	v0 =	vld [tilespmem:s30+$0x9160]  }
0x78: {  	v11 =	vld [tilespmem:s30+$0x1120];
	v4 =	vmul.f32 $1.131370830e+01, v4;
	v8 =	vmul.f32 $1.131370830e+01, v8  }
0x79: {  	v12 =	vld [tilespmem:s30+$0x3120]  }
0x7a: {  	v13 =	vld [tilespmem:s30+$0x1130];
	v4 =	vadd.f32 v4, v3;
	v3 =	vadd.f32 v8, v3;
	v8 =	vmul.f32 $1.131370830e+01, v9  }
0x7b: {  	v14 =	vld [tilespmem:s30+$0x3130];
	v10 =	vmul.f32 $1.131370830e+01, v10  }
0x7c: {  	v15 =	vld [tilespmem:s30+$0x1140];
	[tilespmem:s30+$0x1100] =	vst v4;
	v8 =	vadd.f32 v8, v5  }
0x7d: {  	v9 =	vld [tilespmem:s30+$0x3140];
	v10 =	vadd.f32 v10, v5;
	[tilespmem:s30+$0x3100] =	vst v3;
	v3 =	vmul.f32 $1.131370830e+01, v11  }
0x7e: {  	v4 =	vld [tilespmem:s30+$0x1150];
	[tilespmem:s30+$0x1110] =	vst v8;
	v8 =	vmul.f32 $1.131370830e+01, v12  }
0x7f: {  	v5 =	vld [tilespmem:s30+$0x3150];
	[tilespmem:s30+$0x3110] =	vst v10;
	v10 =	vmul.f32 $1.131370830e+01, v13;
	v11 =	vadd.f32 v3, v6  }
0x80: {  	v63 =	vmul.f32 $1.131370830e+01, v14;
	v3 =	vld [tilespmem:s30+$0x1160];
	v8 =	vadd.f32 v8, v6  }
0x81: {  	v10 =	vadd.f32 v10, v7;
	[tilespmem:s30+$0x1120] =	vst v11;
	v6 =	vld [tilespmem:s30+$0x3160];
	v11 =	vmul.f32 $1.131370830e+01, v15  }
0x82: {  	s31 =	simm.s32 $0x200;
	v9 =	vmul.f32 $1.131370830e+01, v9;
	[tilespmem:s30+$0x3120] =	vst v8;
	v8 =	vadd.f32 v63, v7;
	v7 =	vld [tilespmem:s30+$0x1170]  }
.LBB2_4:
0x83: {  	p0 =	sne.s32 s31, $0x3E00;
	[tilespmem:s30+$0x1130] =	vst v10;
	v10 =	vadd.f32 v11, v2;
	v4 =	vmul.f32 $1.131370830e+01, v4;
	v11 =	vld [tilespmem:s30+$0x3170]  }
0x84: {  	s0 =	sshra.s32 s31, $0x2;
	[tilespmem:s30+$0x3130] =	vst v8;
	v2 =	vadd.f32 v9, v2;
	v5 =	vmul.f32 $1.131370830e+01, v5;
	v8 =	vld [tilespmem:s30+$0x9170]  }
0x85: {  	v9 =	vld [tilespmem:s0+$0x9100];
	[tilespmem:s30+$0x1140] =	vst v10;
	v4 =	vadd.f32 v4, v1;
	v3 =	vmul.f32 $1.131370830e+01, v3  }
0x86: {  	v10 =	vld [tilespmem:s0+$0x9110];
	[tilespmem:s30+$0x3140] =	vst v2;
	v1 =	vadd.f32 v5, v1;
	v2 =	vmul.f32 $1.131370830e+01, v6  }
0x87: {  	v6 =	vld [tilespmem:s0+$0x9120];
	[tilespmem:s30+$0x1150] =	vst v4;
	v3 =	vadd.f32 v3, v0;
	v4 =	vmul.f32 $1.131370830e+01, v7  }
0x88: {  	v7 =	vld [tilespmem:s0+$0x9130];
	[tilespmem:s30+$0x3150] =	vst v1;
	v0 =	vadd.f32 v2, v0;
	v5 =	vmul.f32 $1.131370830e+01, v11  }
0x89: {  	v2 =	vld [tilespmem:s0+$0x9140];
	[tilespmem:s30+$0x1160] =	vst v3;
	v3 =	vadd.f32 v4, v8  }
0x8a: {  	v1 =	vld [tilespmem:s0+$0x9150];
	[tilespmem:s30+$0x3160] =	vst v0;
	v4 =	vadd.f32 v5, v8  }
0x8b: {  	v0 =	vld [tilespmem:s0+$0x9160];
	[tilespmem:s30+$0x1170] =	vst v3  }
0x8c: {  	v3 =	vld [tilespmem:s0+$0x1100];
	[tilespmem:s30+$0x3170] =	vst v4;
	s30 =	smov.u32 s0  }
0x8d: {  	v4 =	vld [tilespmem:s30+$0x3100]  }
0x8e: {  	v5 =	vld [tilespmem:s30+$0x1110]  }
0x8f: {  	v8 =	vld [tilespmem:s30+$0x3110]  }
0x90: {  	v11 =	vld [tilespmem:s30+$0x1120]  }
0x91: {  	v3 =	vmul.f32 $1.131370830e+01, v3;
	v12 =	vld [tilespmem:s30+$0x3120]  }
0x92: {  	v4 =	vmul.f32 $1.131370830e+01, v4;
	v13 =	vld [tilespmem:s30+$0x1130]  }
0x93: {  	v3 =	vadd.f32 v3, v9;
	v5 =	vmul.f32 $1.131370830e+01, v5;
	v14 =	vld [tilespmem:s30+$0x3130]  }
0x94: {  	v4 =	vadd.f32 v4, v9;
	v8 =	vmul.f32 $1.131370830e+01, v8;
	v9 =	vld [tilespmem:s30+$0x1140]  }
0x95: {  	[tilespmem:s30+$0x1100] =	vst v3;
	v3 =	vadd.f32 v5, v10;
	v5 =	vmul.f32 $1.131370830e+01, v11;
	v15 =	vld [tilespmem:s30+$0x3140]  }
.Ltmp1:
0x96: {  	[tilespmem:s30+$0x3100] =	vst v4;
	v8 =	vadd.f32 v8, v10;
	v10 =	vmul.f32 $1.131370830e+01, v12;
	v4 =	vld [tilespmem:s30+$0x1150];
	(pc) =	sbr.rel @p0 .LBB2_4-.Ltmp1, $4  }
0x97: {  	[tilespmem:s30+$0x1110] =	vst v3;
	v11 =	vadd.f32 v5, v6;
	v12 =	vmul.f32 $1.131370830e+01, v13;
	v5 =	vld [tilespmem:s30+$0x3150]  }
0x98: {  	[tilespmem:s30+$0x3110] =	vst v8;
	v8 =	vadd.f32 v10, v6;
	v13 =	vmul.f32 $1.131370830e+01, v14;
	v3 =	vld [tilespmem:s30+$0x1160]  }
0x99: {  	[tilespmem:s30+$0x1120] =	vst v11;
	v10 =	vadd.f32 v12, v7;
	v11 =	vmul.f32 $1.131370830e+01, v9;
	v6 =	vld [tilespmem:s30+$0x3160]  }
0x9a: {  	s31 =	sadd.s32 $0x200, s31;
	[tilespmem:s30+$0x3120] =	vst v8;
	v8 =	vadd.f32 v13, v7;
	v9 =	vmul.f32 $1.131370830e+01, v15;
	v7 =	vld [tilespmem:s30+$0x1170]  }
0x9b: {  	[tilespmem:s30+$0x1130] =	vst v10;
	v10 =	vld [tilespmem:s30+$0x3170];
	v11 =	vadd.f32 v11, v2;
	v4 =	vmul.f32 $1.131370830e+01, v4  }
0x9c: {  	[tilespmem:s30+$0x3130] =	vst v8;
	v2 =	vadd.f32 v9, v2;
	v5 =	vmul.f32 $1.131370830e+01, v5;
	v8 =	vld [tilespmem:s30+$0x9170]  }
0x9d: {  	[tilespmem:s30+$0x1140] =	vst v11;
	v4 =	vadd.f32 v4, v1;
	v3 =	vmul.f32 $1.131370830e+01, v3  }
0x9e: {  	[tilespmem:s30+$0x3140] =	vst v2;
	v1 =	vadd.f32 v5, v1;
	v2 =	vmul.f32 $1.131370830e+01, v6  }
0x9f: {  	[tilespmem:s30+$0x1150] =	vst v4;
	v3 =	vadd.f32 v3, v0;
	v4 =	vmul.f32 $1.131370830e+01, v7  }
0xa0: {  	[tilespmem:s30+$0x3150] =	vst v1;
	v0 =	vadd.f32 v2, v0;
	v1 =	vmul.f32 $1.131370830e+01, v10  }
0xa1: {  	[tilespmem:s30+$0x1160] =	vst v3;
	v2 =	vadd.f32 v4, v8  }
0xa2: {  	[tilespmem:s30+$0x3160] =	vst v0;
	v0 =	vadd.f32 v1, v8  }
0xa3: {  	[tilespmem:s30+$0x1170] =	vst v2  }
0xa4: {  	s0 =	simm.s32 $0x0;
	[tilespmem:s30+$0x3170] =	vst v0;
	s30 =	simm.s32 $0x1100  }
0xa5: {  	[hbm4b:s11+s0] =	stream.linear.scatter [tilespmem:s30], [sflag:$0x4], $0x1000, $0x38;
	[tilespmem:$0xA100] =	vst v63  }
0xa6: {  	s30 =	simm.s32 $0x3100  }
0xa7: {  	[hbm4b:s12+s0] =	stream.linear.scatter [tilespmem:s30], [sflag:$0x4], $0x1000, $0x38;
	[tilespmem:$0xA100] =	vst v63  }
0xa8: {  	_ =	swait.ge [sflag:s2], $0x4000  }
0xa9: {  	[sflag:s2] =	ssyncset.done $0x0  }
0xaa: {  	s30 =	simm.s32 $0x0;
	[sflag:s2] =	ssyncadd.s32 $0xFFFFC000  }
0xab: {  	v3 =	vld [tilespmem:s30+$0x8100]  }
0xac: {  	v5 =	vld [tilespmem:s30+$0x8110]  }
0xad: {  	v6 =	vld [tilespmem:s30+$0x8120]  }
0xae: {  	v7 =	vld [tilespmem:s30+$0x8130]  }
0xaf: {  	v2 =	vld [tilespmem:s30+$0x8140]  }
0xb0: {  	v4 =	vld [tilespmem:s30+$0x4100]  }
0xb1: {  	v8 =	vld [tilespmem:s30+$0x6100]  }
0xb2: {  	v1 =	vld [tilespmem:s30+$0x8150]  }
0xb3: {  	v9 =	vld [tilespmem:s30+$0x4110]  }
0xb4: {  	v10 =	vld [tilespmem:s30+$0x6110]  }
0xb5: {  	v0 =	vld [tilespmem:s30+$0x8160]  }
0xb6: {  	v11 =	vld [tilespmem:s30+$0x4120];
	v4 =	vmul.f32 $1.131370830e+01, v4;
	v8 =	vmul.f32 $1.131370830e+01, v8  }
0xb7: {  	v12 =	vld [tilespmem:s30+$0x6120]  }
0xb8: {  	v13 =	vld [tilespmem:s30+$0x4130];
	v4 =	vadd.f32 v4, v3;
	v3 =	vadd.f32 v8, v3;
	v8 =	vmul.f32 $1.131370830e+01, v9  }
0xb9: {  	v14 =	vld [tilespmem:s30+$0x6130];
	v10 =	vmul.f32 $1.131370830e+01, v10  }
0xba: {  	v15 =	vld [tilespmem:s30+$0x4140];
	[tilespmem:s30+$0x4100] =	vst v4;
	v8 =	vadd.f32 v8, v5  }
0xbb: {  	v9 =	vld [tilespmem:s30+$0x6140];
	v10 =	vadd.f32 v10, v5;
	[tilespmem:s30+$0x6100] =	vst v3;
	v3 =	vmul.f32 $1.131370830e+01, v11  }
0xbc: {  	v4 =	vld [tilespmem:s30+$0x4150];
	[tilespmem:s30+$0x4110] =	vst v8;
	v8 =	vmul.f32 $1.131370830e+01, v12  }
0xbd: {  	v5 =	vld [tilespmem:s30+$0x6150];
	[tilespmem:s30+$0x6110] =	vst v10;
	v10 =	vmul.f32 $1.131370830e+01, v13;
	v11 =	vadd.f32 v3, v6  }
0xbe: {  	v63 =	vmul.f32 $1.131370830e+01, v14;
	v3 =	vld [tilespmem:s30+$0x4160];
	v8 =	vadd.f32 v8, v6  }
0xbf: {  	v10 =	vadd.f32 v10, v7;
	[tilespmem:s30+$0x4120] =	vst v11;
	v6 =	vld [tilespmem:s30+$0x6160];
	v11 =	vmul.f32 $1.131370830e+01, v15  }
0xc0: {  	s31 =	simm.s32 $0x200;
	v9 =	vmul.f32 $1.131370830e+01, v9;
	[tilespmem:s30+$0x6120] =	vst v8;
	v8 =	vadd.f32 v63, v7;
	v7 =	vld [tilespmem:s30+$0x4170]  }
.LBB2_6:
0xc1: {  	p0 =	sne.s32 s31, $0x3E00;
	[tilespmem:s30+$0x4130] =	vst v10;
	v10 =	vadd.f32 v11, v2;
	v4 =	vmul.f32 $1.131370830e+01, v4;
	v11 =	vld [tilespmem:s30+$0x6170]  }
0xc2: {  	s0 =	sshra.s32 s31, $0x2;
	[tilespmem:s30+$0x6130] =	vst v8;
	v2 =	vadd.f32 v9, v2;
	v5 =	vmul.f32 $1.131370830e+01, v5;
	v8 =	vld [tilespmem:s30+$0x8170]  }
0xc3: {  	v9 =	vld [tilespmem:s0+$0x8100];
	[tilespmem:s30+$0x4140] =	vst v10;
	v4 =	vadd.f32 v4, v1;
	v3 =	vmul.f32 $1.131370830e+01, v3  }
0xc4: {  	v10 =	vld [tilespmem:s0+$0x8110];
	[tilespmem:s30+$0x6140] =	vst v2;
	v1 =	vadd.f32 v5, v1;
	v2 =	vmul.f32 $1.131370830e+01, v6  }
0xc5: {  	v6 =	vld [tilespmem:s0+$0x8120];
	[tilespmem:s30+$0x4150] =	vst v4;
	v3 =	vadd.f32 v3, v0;
	v4 =	vmul.f32 $1.131370830e+01, v7  }
0xc6: {  	v7 =	vld [tilespmem:s0+$0x8130];
	[tilespmem:s30+$0x6150] =	vst v1;
	v0 =	vadd.f32 v2, v0;
	v5 =	vmul.f32 $1.131370830e+01, v11  }
0xc7: {  	v2 =	vld [tilespmem:s0+$0x8140];
	[tilespmem:s30+$0x4160] =	vst v3;
	v3 =	vadd.f32 v4, v8  }
0xc8: {  	v1 =	vld [tilespmem:s0+$0x8150];
	[tilespmem:s30+$0x6160] =	vst v0;
	v4 =	vadd.f32 v5, v8  }
0xc9: {  	v0 =	vld [tilespmem:s0+$0x8160];
	[tilespmem:s30+$0x4170] =	vst v3  }
0xca: {  	v3 =	vld [tilespmem:s0+$0x4100];
	[tilespmem:s30+$0x6170] =	vst v4;
	s30 =	smov.u32 s0  }
0xcb: {  	v4 =	vld [tilespmem:s30+$0x6100]  }
0xcc: {  	v5 =	vld [tilespmem:s30+$0x4110]  }
0xcd: {  	v8 =	vld [tilespmem:s30+$0x6110]  }
0xce: {  	v11 =	vld [tilespmem:s30+$0x4120]  }
0xcf: {  	v3 =	vmul.f32 $1.131370830e+01, v3;
	v12 =	vld [tilespmem:s30+$0x6120]  }
0xd0: {  	v4 =	vmul.f32 $1.131370830e+01, v4;
	v13 =	vld [tilespmem:s30+$0x4130]  }
0xd1: {  	v3 =	vadd.f32 v3, v9;
	v5 =	vmul.f32 $1.131370830e+01, v5;
	v14 =	vld [tilespmem:s30+$0x6130]  }
0xd2: {  	v4 =	vadd.f32 v4, v9;
	v8 =	vmul.f32 $1.131370830e+01, v8;
	v9 =	vld [tilespmem:s30+$0x4140]  }
0xd3: {  	[tilespmem:s30+$0x4100] =	vst v3;
	v3 =	vadd.f32 v5, v10;
	v5 =	vmul.f32 $1.131370830e+01, v11;
	v15 =	vld [tilespmem:s30+$0x6140]  }
.Ltmp2:
0xd4: {  	[tilespmem:s30+$0x6100] =	vst v4;
	v8 =	vadd.f32 v8, v10;
	v10 =	vmul.f32 $1.131370830e+01, v12;
	v4 =	vld [tilespmem:s30+$0x4150];
	(pc) =	sbr.rel @p0 .LBB2_6-.Ltmp2, $4  }
0xd5: {  	[tilespmem:s30+$0x4110] =	vst v3;
	v11 =	vadd.f32 v5, v6;
	v12 =	vmul.f32 $1.131370830e+01, v13;
	v5 =	vld [tilespmem:s30+$0x6150]  }
0xd6: {  	[tilespmem:s30+$0x6110] =	vst v8;
	v8 =	vadd.f32 v10, v6;
	v13 =	vmul.f32 $1.131370830e+01, v14;
	v3 =	vld [tilespmem:s30+$0x4160]  }
0xd7: {  	[tilespmem:s30+$0x4120] =	vst v11;
	v10 =	vadd.f32 v12, v7;
	v11 =	vmul.f32 $1.131370830e+01, v9;
	v6 =	vld [tilespmem:s30+$0x6160]  }
0xd8: {  	s31 =	sadd.s32 $0x200, s31;
	[tilespmem:s30+$0x6120] =	vst v8;
	v8 =	vadd.f32 v13, v7;
	v9 =	vmul.f32 $1.131370830e+01, v15;
	v7 =	vld [tilespmem:s30+$0x4170]  }
0xd9: {  	[tilespmem:s30+$0x4130] =	vst v10;
	v10 =	vld [tilespmem:s30+$0x6170];
	v11 =	vadd.f32 v11, v2;
	v4 =	vmul.f32 $1.131370830e+01, v4  }
0xda: {  	[tilespmem:s30+$0x6130] =	vst v8;
	v2 =	vadd.f32 v9, v2;
	v5 =	vmul.f32 $1.131370830e+01, v5;
	v8 =	vld [tilespmem:s30+$0x8170]  }
0xdb: {  	[tilespmem:s30+$0x4140] =	vst v11;
	v4 =	vadd.f32 v4, v1;
	v3 =	vmul.f32 $1.131370830e+01, v3  }
0xdc: {  	[tilespmem:s30+$0x6140] =	vst v2;
	v1 =	vadd.f32 v5, v1;
	v2 =	vmul.f32 $1.131370830e+01, v6  }
0xdd: {  	[tilespmem:s30+$0x4150] =	vst v4;
	v3 =	vadd.f32 v3, v0;
	v4 =	vmul.f32 $1.131370830e+01, v7  }
0xde: {  	[tilespmem:s30+$0x6150] =	vst v1;
	v0 =	vadd.f32 v2, v0;
	v1 =	vmul.f32 $1.131370830e+01, v10  }
0xdf: {  	[tilespmem:s30+$0x4160] =	vst v3;
	v2 =	vadd.f32 v4, v8  }
0xe0: {  	[tilespmem:s30+$0x6160] =	vst v0;
	v0 =	vadd.f32 v1, v8  }
0xe1: {  	[tilespmem:s30+$0x4170] =	vst v2  }
0xe2: {  	s0 =	simm.s32 $0x0;
	[tilespmem:s30+$0x6170] =	vst v0  }
0xe3: {  	[hbm4b:s13+s0] =	stream.linear.scatter [tilespmem:s25], [sflag:$0x4], $0x1000, $0x38;
	[tilespmem:$0xA100] =	vst v63  }
0xe4: {  	s30 =	simm.s32 $0x6100  }
0xe5: {  	[hbm4b:s14+s0] =	stream.linear.scatter [tilespmem:s30], [sflag:$0x4], $0x1000, $0x38;
	[tilespmem:$0xA100] =	vst v63  }
0xe6: {  	s30 =	simm.s32 $0x0  }
0xe7: {  	v3 =	vld [tilespmem:s30+$0x9100]  }
0xe8: {  	v5 =	vld [tilespmem:s30+$0x9110]  }
0xe9: {  	v6 =	vld [tilespmem:s30+$0x9120]  }
0xea: {  	v7 =	vld [tilespmem:s30+$0x9130]  }
0xeb: {  	v2 =	vld [tilespmem:s30+$0x9140]  }
0xec: {  	v4 =	vld [tilespmem:s30+$0x5100]  }
0xed: {  	v8 =	vld [tilespmem:s30+$0x7100]  }
0xee: {  	v1 =	vld [tilespmem:s30+$0x9150]  }
0xef: {  	v9 =	vld [tilespmem:s30+$0x5110]  }
0xf0: {  	v10 =	vld [tilespmem:s30+$0x7110]  }
0xf1: {  	v0 =	vld [tilespmem:s30+$0x9160]  }
0xf2: {  	v11 =	vld [tilespmem:s30+$0x5120];
	v4 =	vmul.f32 $1.131370830e+01, v4;
	v8 =	vmul.f32 $1.131370830e+01, v8  }
0xf3: {  	v12 =	vld [tilespmem:s30+$0x7120]  }
0xf4: {  	v13 =	vld [tilespmem:s30+$0x5130];
	v4 =	vadd.f32 v4, v3;
	v3 =	vadd.f32 v8, v3;
	v8 =	vmul.f32 $1.131370830e+01, v9  }
0xf5: {  	v14 =	vld [tilespmem:s30+$0x7130];
	v10 =	vmul.f32 $1.131370830e+01, v10  }
0xf6: {  	v15 =	vld [tilespmem:s30+$0x5140];
	[tilespmem:s30+$0x5100] =	vst v4;
	v8 =	vadd.f32 v8, v5  }
0xf7: {  	v9 =	vld [tilespmem:s30+$0x7140];
	v10 =	vadd.f32 v10, v5;
	[tilespmem:s30+$0x7100] =	vst v3;
	v3 =	vmul.f32 $1.131370830e+01, v11  }
0xf8: {  	v4 =	vld [tilespmem:s30+$0x5150];
	[tilespmem:s30+$0x5110] =	vst v8;
	v8 =	vmul.f32 $1.131370830e+01, v12  }
0xf9: {  	v5 =	vld [tilespmem:s30+$0x7150];
	[tilespmem:s30+$0x7110] =	vst v10;
	v10 =	vmul.f32 $1.131370830e+01, v13;
	v11 =	vadd.f32 v3, v6  }
0xfa: {  	v63 =	vmul.f32 $1.131370830e+01, v14;
	v3 =	vld [tilespmem:s30+$0x5160];
	v8 =	vadd.f32 v8, v6  }
0xfb: {  	v10 =	vadd.f32 v10, v7;
	[tilespmem:s30+$0x5120] =	vst v11;
	v6 =	vld [tilespmem:s30+$0x7160];
	v11 =	vmul.f32 $1.131370830e+01, v15  }
0xfc: {  	s31 =	simm.s32 $0x200;
	v9 =	vmul.f32 $1.131370830e+01, v9;
	[tilespmem:s30+$0x7120] =	vst v8;
	v8 =	vadd.f32 v63, v7;
	v7 =	vld [tilespmem:s30+$0x5170]  }
.LBB2_8:
0xfd: {  	p0 =	sne.s32 s31, $0x3E00;
	[tilespmem:s30+$0x5130] =	vst v10;
	v10 =	vadd.f32 v11, v2;
	v4 =	vmul.f32 $1.131370830e+01, v4;
	v11 =	vld [tilespmem:s30+$0x7170]  }
0xfe: {  	s0 =	sshra.s32 s31, $0x2;
	[tilespmem:s30+$0x7130] =	vst v8;
	v2 =	vadd.f32 v9, v2;
	v5 =	vmul.f32 $1.131370830e+01, v5;
	v8 =	vld [tilespmem:s30+$0x9170]  }
0xff: {  	v9 =	vld [tilespmem:s0+$0x9100];
	[tilespmem:s30+$0x5140] =	vst v10;
	v4 =	vadd.f32 v4, v1;
	v3 =	vmul.f32 $1.131370830e+01, v3  }
0x100: {  	v10 =	vld [tilespmem:s0+$0x9110];
	[tilespmem:s30+$0x7140] =	vst v2;
	v1 =	vadd.f32 v5, v1;
	v2 =	vmul.f32 $1.131370830e+01, v6  }
0x101: {  	v6 =	vld [tilespmem:s0+$0x9120];
	[tilespmem:s30+$0x5150] =	vst v4;
	v3 =	vadd.f32 v3, v0;
	v4 =	vmul.f32 $1.131370830e+01, v7  }
0x102: {  	v7 =	vld [tilespmem:s0+$0x9130];
	[tilespmem:s30+$0x7150] =	vst v1;
	v0 =	vadd.f32 v2, v0;
	v5 =	vmul.f32 $1.131370830e+01, v11  }
0x103: {  	v2 =	vld [tilespmem:s0+$0x9140];
	[tilespmem:s30+$0x5160] =	vst v3;
	v3 =	vadd.f32 v4, v8  }
0x104: {  	v1 =	vld [tilespmem:s0+$0x9150];
	[tilespmem:s30+$0x7160] =	vst v0;
	v4 =	vadd.f32 v5, v8  }
0x105: {  	v0 =	vld [tilespmem:s0+$0x9160];
	[tilespmem:s30+$0x5170] =	vst v3  }
0x106: {  	v3 =	vld [tilespmem:s0+$0x5100];
	[tilespmem:s30+$0x7170] =	vst v4;
	s30 =	smov.u32 s0  }
0x107: {  	v4 =	vld [tilespmem:s30+$0x7100]  }
0x108: {  	v5 =	vld [tilespmem:s30+$0x5110]  }
0x109: {  	v8 =	vld [tilespmem:s30+$0x7110]  }
0x10a: {  	v11 =	vld [tilespmem:s30+$0x5120]  }
0x10b: {  	v3 =	vmul.f32 $1.131370830e+01, v3;
	v12 =	vld [tilespmem:s30+$0x7120]  }
0x10c: {  	v4 =	vmul.f32 $1.131370830e+01, v4;
	v13 =	vld [tilespmem:s30+$0x5130]  }
0x10d: {  	v3 =	vadd.f32 v3, v9;
	v5 =	vmul.f32 $1.131370830e+01, v5;
	v14 =	vld [tilespmem:s30+$0x7130]  }
0x10e: {  	v4 =	vadd.f32 v4, v9;
	v8 =	vmul.f32 $1.131370830e+01, v8;
	v9 =	vld [tilespmem:s30+$0x5140]  }
0x10f: {  	[tilespmem:s30+$0x5100] =	vst v3;
	v3 =	vadd.f32 v5, v10;
	v5 =	vmul.f32 $1.131370830e+01, v11;
	v15 =	vld [tilespmem:s30+$0x7140]  }
.Ltmp3:
0x110: {  	[tilespmem:s30+$0x7100] =	vst v4;
	v8 =	vadd.f32 v8, v10;
	v10 =	vmul.f32 $1.131370830e+01, v12;
	v4 =	vld [tilespmem:s30+$0x5150];
	(pc) =	sbr.rel @p0 .LBB2_8-.Ltmp3, $4  }
0x111: {  	[tilespmem:s30+$0x5110] =	vst v3;
	v11 =	vadd.f32 v5, v6;
	v12 =	vmul.f32 $1.131370830e+01, v13;
	v5 =	vld [tilespmem:s30+$0x7150]  }
0x112: {  	[tilespmem:s30+$0x7110] =	vst v8;
	v8 =	vadd.f32 v10, v6;
	v13 =	vmul.f32 $1.131370830e+01, v14;
	v3 =	vld [tilespmem:s30+$0x5160]  }
0x113: {  	[tilespmem:s30+$0x5120] =	vst v11;
	v10 =	vadd.f32 v12, v7;
	v11 =	vmul.f32 $1.131370830e+01, v9;
	v6 =	vld [tilespmem:s30+$0x7160]  }
0x114: {  	s31 =	sadd.s32 $0x200, s31;
	[tilespmem:s30+$0x7120] =	vst v8;
	v8 =	vadd.f32 v13, v7;
	v9 =	vmul.f32 $1.131370830e+01, v15;
	v7 =	vld [tilespmem:s30+$0x5170]  }
0x115: {  	[tilespmem:s30+$0x5130] =	vst v10;
	v54 =	vld [tilespmem:s30+$0x7170];
	v11 =	vadd.f32 v11, v2;
	v4 =	vmul.f32 $1.131370830e+01, v4  }
0x116: {  	v56 =	vld [tilespmem:s30+$0x9170];
	[tilespmem:s30+$0x7130] =	vst v8;
	v55 =	vadd.f32 v9, v2;
	v5 =	vmul.f32 $1.131370830e+01, v5  }
0x117: {  	[tilespmem:s30+$0x5140] =	vst v11;
	v4 =	vadd.f32 v4, v1;
	v3 =	vmul.f32 $1.131370830e+01, v3  }
0x118: {  	[tilespmem:s30+$0x7140] =	vst v55;
	v57 =	vadd.f32 v5, v1;
	v58 =	vmul.f32 $1.131370830e+01, v6  }
0x119: {  	[tilespmem:s30+$0x5150] =	vst v4;
	v3 =	vadd.f32 v3, v0;
	v59 =	vmul.f32 $1.131370830e+01, v7  }
0x11a: {  	[tilespmem:s30+$0x7150] =	vst v57;
	v60 =	vadd.f32 v58, v0;
	v61 =	vmul.f32 $1.131370830e+01, v54  }
0x11b: {  	[tilespmem:s30+$0x5160] =	vst v3;
	v62 =	vadd.f32 v59, v56  }
0x11c: {  	[tilespmem:s30+$0x7160] =	vst v60;
	v63 =	vadd.f32 v61, v56  }
0x11d: {  	[tilespmem:s30+$0x5170] =	vst v62  }
0x11e: {  	[tilespmem:s30+$0x7170] =	vst v63  }
0x11f: {  	[hbm4b:s15+s3] =	stream.linear.scatter [tilespmem:s18], [sflag:$0x4], $0x1000, $0x38;
	[tilespmem:$0xA100] =	vst v63  }
0x120: {  	_ = 	snop  }
0x121: {  	[hbm4b:s16+s3] =	stream.linear.scatter [tilespmem:s20], [sflag:$0x4], $0x1000, $0x38;
	[tilespmem:$0xA100] =	vst v63  }
0x122: {  	_ =	swait.ge [sflag:s21], $0x1000  }
0x123: {  	[sflag:s21] =	ssyncset.done $0x0  }
0x124: {  	[sflag:s21] =	ssyncadd.s32 $0xFFFFF000  }
0x125: {  	_ =	swait.ge [sflag:s21], $0x1000  }
0x126: {  	[sflag:s21] =	ssyncset.done $0x0  }
0x127: {  	[sflag:s21] =	ssyncadd.s32 $0xFFFFF000  }
0x128: {  	_ =	swait.ge [sflag:s21], $0x1000  }
0x129: {  	[sflag:s21] =	ssyncset.done $0x0  }
0x12a: {  	[sflag:s21] =	ssyncadd.s32 $0xFFFFF000  }
0x12b: {  	_ =	swait.ge [sflag:s21], $0x1000  }
0x12c: {  	[sflag:s21] =	ssyncset.done $0x0  }
0x12d: {  	[sflag:s21] =	ssyncadd.s32 $0xFFFFF000  }
0x12e: {  	_ =	swait.ge [sflag:s21], $0x1000  }
0x12f: {  	[sflag:s21] =	ssyncset.done $0x0  }
0x130: {  	[sflag:s21] =	ssyncadd.s32 $0xFFFFF000  }
0x131: {  	_ =	swait.ge [sflag:s21], $0x1000  }
0x132: {  	[sflag:s21] =	ssyncset.done $0x0  }
0x133: {  	s29 =	sadd.s32 $0x1, s29;
	[sflag:s21] =	ssyncadd.s32 $0xFFFFF000  }
0x134: {  	p0 =	sne.s32 s29, s17;
	_ =	swait.ge [sflag:s21], $0x1000  }
.Ltmp4:
0x135: {  	[sflag:s21] =	ssyncset.done $0x0;
	(pc) =	sbr.rel @p0 .LBB2_1-.Ltmp4, $4  }
0x136: {  	[sflag:s21] =	ssyncadd.s32 $0xFFFFF000  }
0x137: {  	_ =	swait.ge [sflag:s21], $0x1000  }
0x138: {  	[sflag:s21] =	ssyncset.done $0x0  }
0x139: {  	[sflag:s21] =	ssyncadd.s32 $0xFFFFF000  }
0x13a: {  	_ =	sfence.sel $0x180000  }
0x13b: {  	[bflag:$0x0] =	sbarrier.arrive $0xFFFF  }
0x13c: {  	_ =	strace $0x90000047  }
0x13d: {  	s0 =	stileid.u32;
	[bflag:$0x2] =	sbarrier.arrive $0xFFFF  }
0x13e: {  	p0 =	sne.s32 s0, $0x0;
	s0 =	rddreg [dreg:$0x4]  }
0x13f: {  	s0 =	sadd.s32 @!p0 $0x100000, s0  }
0x140: {  	[sflag:s0] =	ssyncadd.tile.s32 @!p0 $0x1;
	_ =	shalt  }
.Lfunc_end2:
_tile_overlayer_lowered:
.L_overlay_start_2:
0x141: {  	(tag) =	ssettag $0x2  }
0x142: {  	s0 =	rddreg [dreg:$0x0];
	s2 =	stileid.u32  }
0x143: {  	s1 =	rddreg [dreg:$0x1];
	p0 =	sne.s32 s2, $0x0  }
0x144: {  	s3 =	rddreg [dreg:$0x2];
	[bflag:$0x3] =	sbarrier.arrive $0xFFFF;
	s2 =	simm.s32 @!p0 $0x1C07  }
0x145: {  	[timem:s3], [sflag:s2] =	dma.local @!p0 [hbm:s0], s1  }
0x146: {  	s0 =	simm.s32 @!p0 $0x7  }
0x147: {  	_ =	swait.ge @!p0 [sflag:s0], s1  }
0x148: {  	s1 =	ssub.s32 @!p0 $0x0, s1;
	[sflag:s0] =	ssyncset.done @!p0 $0x0  }
0x149: {  	[sflag:s0] =	ssyncadd.s32 @!p0 s1  }
0x14a: {  	[bflag:$0x3] =	sbarrier.arrive $0xFFFF  }
0x14b: {  	_ =	shalt  }

</sc_bundles>
